<compile_context>
chip_gen: v7x
topology: tpu7x:2x2x1
jax: 0.10.2.dev20260603
libtpu: 0.0.44.dev20260713+nightly
codegen_flags: <defaults>
</compile_context>

<pallas_src>
import functools

import jax
import jax.numpy as jnp
from jax import lax
from jax.experimental import pallas as pl
from jax.experimental.pallas import tpu as pltpu

_TASKS = 128
_GEN_HIDDEN = 1024
_TOTAL = 156448
_ZCHUNK = 2048

_SLICES = (
    (16384, 8192, (_TASKS, 256, 64)),
    (256, 128, (_TASKS, 256)),
    (65536, 32768, (_TASKS, 256, 256)),
    (256, 128, (_TASKS, 256)),
    (65536, 32768, (_TASKS, 256, 256)),
    (256, 128, (_TASKS, 256)),
    (8192, 4096, (_TASKS, 32, 256)),
    (32, 16, (_TASKS, 32)),
)

_HI = jax.lax.Precision.DEFAULT


def _h_body(e_ref, w1_ref, b1_ref, w2_ref, b2_ref, g1_ref, gb1_ref, h_ref):
    e = e_ref[:]
    t = jnp.maximum(
        lax.dot_general(e, w1_ref[:], (((1,), (1,)), ((), ())), precision=_HI)
        + b1_ref[:], 0.0)
    task = lax.dot_general(t, w2_ref[:], (((1,), (1,)), ((), ())),
                           precision=_HI) + b2_ref[:]
    h_ref[:] = jnp.maximum(
        lax.dot_general(task, g1_ref[:], (((1,), (1,)), ((), ())),
                        precision=_HI) + gb1_ref[:], 0.0)


def _z_body(h_ref, g2_ref, gb2_ref, noise_ref, z_ref):
    acc = lax.dot_general(h_ref[:], g2_ref[:], (((1,), (1,)), ((), ())),
                          precision=_HI)
    z_ref[:] = jnp.maximum(acc + gb2_ref[:], 0.0) + noise_ref[:]


def _select_one(zb, k):
    u = lax.bitcast_convert_type(zb, jnp.int32)
    m = jnp.where(u >= 0, u, u ^ jnp.int32(0x7FFFFFFF))
    rows = zb.shape[0]

    def it(i, p):
        bit = jnp.left_shift(jnp.int32(1), jnp.int32(31) - i)
        cand_k = p | bit
        cand_m = cand_k ^ jnp.int32(-2147483648)
        cnt = jnp.sum((m >= cand_m).astype(jnp.int32), axis=1, keepdims=True)
        return jnp.where(cnt >= k, cand_k, p)

    p = lax.fori_loop(0, 32, it, jnp.zeros((rows, 1), jnp.int32))
    thresh = p ^ jnp.int32(-2147483648)
    return (m >= thresh).astype(jnp.float32)


def _selall_body(z_ref, *out_refs):
    off = 0
    for s, (n, k, _) in enumerate(_SLICES):
        out_refs[s][:] = _select_one(z_ref[:, off:off + n], k)
        off += n


_SEL_ROWS = 8


def _select_masks(z):
    grid = _TASKS // _SEL_ROWS
    return pl.pallas_call(
        _selall_body,
        grid=(grid,),
        in_specs=[pl.BlockSpec((_SEL_ROWS, _TOTAL), lambda i: (i, 0))],
        out_specs=[pl.BlockSpec((_SEL_ROWS, n), lambda i: (i, 0))
                   for n, _, _ in _SLICES],
        out_shape=[jax.ShapeDtypeStruct((_TASKS, n), jnp.float32)
                   for n, _, _ in _SLICES],
    )(z)


_NOISE_CACHE = None


def _gumbel_noise():
    base = jax.random.key(42)
    parts = []
    for cnt, (n, _, _) in enumerate(_SLICES):
        parts.append(jax.random.gumbel(jax.random.fold_in(base, cnt),
                                       (_TASKS, n), jnp.float32))
    return jnp.concatenate(parts, axis=1)


def kernel(x, embedding_input, W1, b1, W2, b2, G1, gb1, G2, gb2):
    del x
    e = embedding_input.reshape(_TASKS, -1)

    h = pl.pallas_call(
        _h_body,
        out_shape=jax.ShapeDtypeStruct((_TASKS, _GEN_HIDDEN), jnp.float32),
    )(e, W1, b1.reshape(1, -1), W2, b2.reshape(1, -1), G1, gb1.reshape(1, -1))

    noise = _gumbel_noise()

    n_chunks = (_TOTAL + _ZCHUNK - 1) // _ZCHUNK
    z = pl.pallas_call(
        _z_body,
        grid=(n_chunks,),
        in_specs=[
            pl.BlockSpec((_TASKS, _GEN_HIDDEN), lambda j: (0, 0)),
            pl.BlockSpec((_ZCHUNK, _GEN_HIDDEN), lambda j: (j, 0)),
            pl.BlockSpec((1, _ZCHUNK), lambda j: (0, j)),
            pl.BlockSpec((_TASKS, _ZCHUNK), lambda j: (0, j)),
        ],
        out_specs=pl.BlockSpec((_TASKS, _ZCHUNK), lambda j: (0, j)),
        out_shape=jax.ShapeDtypeStruct((_TASKS, _TOTAL), jnp.float32),
    )(h, G2, gb2.reshape(1, -1), noise)

    masks = _select_masks(z)
    return tuple(m.reshape(shape) for m, (_, _, shape) in zip(masks, _SLICES))

# --- scband reference (transcript-rebuilt; emitter-appended) ---
"""Pipeline reference for scband-mask-generator-net-47236050321419 (READ-ONLY COPY).

The authoritative reference and input builder live on the scoring server;
editing this copy changes nothing except your own understanding.
"""

import jax, jax.numpy as jnp
import numpy as np

TASK_AMOUNT = 128
EM_INPUT = 128
ONE_HOT_MLP_HIDDEN = 256
ONE_HOT_RESULT_DIM = 64
GEN_HIDDEN = 1024
LAYER_NEURONS = [256, 256, 256]
MAIN_IN = 64
MAIN_OUT = 32
PRUNING_RATIO = 0.5


def _total_dim():
    sum1 = sum(LAYER_NEURONS) + MAIN_OUT
    tmp = [MAIN_IN] + LAYER_NEURONS + [MAIN_OUT]
    sum2 = 0
    for i in range(len(tmp) - 1):
        sum2 += tmp[i] * tmp[i + 1]
    return sum1 + sum2


def setup_inputs(seed: int = 0) -> dict:
    key = jax.random.key(seed)
    ks = jax.random.split(key, 8)
    total = _total_dim()
    return {
        "x": jax.random.normal(ks[0], (TASK_AMOUNT, 10, 64), jnp.float32),
        "embedding_input": jax.random.normal(ks[1], (TASK_AMOUNT, 1, EM_INPUT), jnp.float32),
        "W1": jax.random.normal(ks[2], (ONE_HOT_MLP_HIDDEN, EM_INPUT), jnp.float32) * 0.05,
        "b1": jnp.zeros((ONE_HOT_MLP_HIDDEN,), jnp.float32),
        "W2": jax.random.normal(ks[3], (ONE_HOT_RESULT_DIM, ONE_HOT_MLP_HIDDEN), jnp.float32) * 0.05,
        "b2": jnp.zeros((ONE_HOT_RESULT_DIM,), jnp.float32),
        "G1": jax.random.normal(ks[4], (GEN_HIDDEN, ONE_HOT_RESULT_DIM), jnp.float32) * 0.05,
        "gb1": jnp.zeros((GEN_HIDDEN,), jnp.float32),
        "G2": jax.random.normal(ks[5], (total, GEN_HIDDEN), jnp.float32) * 0.02,
        "gb2": jnp.zeros((total,), jnp.float32),
    }


def _preserve(n):
    return int(n - n * PRUNING_RATIO)


def _gumbel_softmax_hard(logits, k, key, tau=1.0):
    g = jax.random.gumbel(key, logits.shape, logits.dtype)
    y_soft = jax.nn.softmax((logits + g) / tau, axis=-1)
    idx = jax.lax.top_k(y_soft, k)[1]
    B = logits.shape[0]
    y_hard = jnp.zeros_like(logits).at[jnp.arange(B)[:, None], idx].set(1.0)
    return y_hard - jax.lax.stop_gradient(y_soft) + y_soft


def _forward(x, embedding_input, W1, b1, W2, b2, G1, gb1, G2, gb2):
    # use_trajectory_info = False: x is ignored, only one-hot MLP path is used
    emb = jnp.maximum(embedding_input @ W1.T + b1, 0.0) @ W2.T + b2
    task_info = jnp.squeeze(emb, axis=1)
    mask_vector = jnp.maximum(jnp.maximum(task_info @ G1.T + gb1, 0.0) @ G2.T + gb2, 0.0)
    masks = []
    base_key = jax.random.key(42)
    slice_index = 0
    w_out = LAYER_NEURONS[0]
    w_in = MAIN_IN
    b_out = LAYER_NEURONS[0]
    w_amt = w_in * w_out
    b_amt = b_out
    cnt = 0
    for layer_idx in range(len(LAYER_NEURONS) + 1):
        w = mask_vector[:, slice_index:slice_index + w_amt]
        wm = _gumbel_softmax_hard(w, _preserve(w_amt), jax.random.fold_in(base_key, cnt))
        cnt += 1
        slice_index += w_amt
        b = mask_vector[:, slice_index:slice_index + b_amt]
        bm = _gumbel_softmax_hard(b, _preserve(b_amt), jax.random.fold_in(base_key, cnt))
        cnt += 1
        slice_index += b_amt
        masks.append(wm.reshape((TASK_AMOUNT, w_out, w_in)))
        masks.append(bm.reshape((TASK_AMOUNT, b_out)))
        if layer_idx != len(LAYER_NEURONS):
            w_in = LAYER_NEURONS[layer_idx]
            if layer_idx != len(LAYER_NEURONS) - 1:
                w_out = LAYER_NEURONS[layer_idx + 1]
                b_out = LAYER_NEURONS[layer_idx + 1]
            else:
                w_out = MAIN_OUT
                b_out = MAIN_OUT
            b_amt = b_out
            w_amt = w_in * w_out
    return tuple(masks)


def reference(x, embedding_input, W1, b1, W2, b2, G1, gb1, G2, gb2):
    return _forward(x, embedding_input, W1, b1, W2, b2, G1, gb1, G2, gb2)

if __name__ == "__main__":
    import jax
    _d = setup_inputs()
    print(jax.jit(kernel)(*tuple(_d.values())))

</pallas_src>

<mosaic_0001>
module attributes {stable_mosaic.version = 14 : i64} {
  func.func @_h_body(%arg0: memref<128x128xf32, #tpu.memory_space<vmem>>, %arg1: memref<256x128xf32, #tpu.memory_space<vmem>>, %arg2: memref<1x256xf32, #tpu.memory_space<vmem>>, %arg3: memref<64x256xf32, #tpu.memory_space<vmem>>, %arg4: memref<1x64xf32, #tpu.memory_space<vmem>>, %arg5: memref<1024x64xf32, #tpu.memory_space<vmem>>, %arg6: memref<1x1024xf32, #tpu.memory_space<vmem>>, %arg7: memref<128x1024xf32, #tpu.memory_space<vmem>>) attributes {dimension_semantics = [], scalar_prefetch = 0 : i64, scratch_operands = 0 : i64, tpu.core_type = #tpu.core_type<tc>} {
    %get3A = arith.constant 0 : index
    %get3A_0 = arith.constant 0 : index
    %get3A_1 = vector.load %arg0[%get3A, %get3A_0] : memref<128x128xf32, #tpu.memory_space<vmem>>, vector<128x128xf32>
    %get3A_2 = arith.constant 0 : index
    %get3A_3 = arith.constant 0 : index
    %get3A_4 = vector.load %arg1[%get3A_2, %get3A_3] : memref<256x128xf32, #tpu.memory_space<vmem>>, vector<256x128xf32>
    %dot_general3A = arith.constant dense<0.000000e+00> : vector<128x256xf32>
    %dot_general3A_5 = tpu.matmul %get3A_1, %get3A_4, %dot_general3A {dimension_numbers = #tpu.dot_dimension_numbers<[1], [1], [0], [0], [0, 0, 1, 0], [], []>, transpose_lhs_hint = false} : vector<128x128xf32>, vector<256x128xf32>, vector<128x256xf32> -> vector<128x256xf32>
    %get3A_6 = arith.constant 0 : index
    %get3A_7 = arith.constant 0 : index
    %get3A_8 = vector.load %arg2[%get3A_6, %get3A_7] : memref<1x256xf32, #tpu.memory_space<vmem>>, vector<1x256xf32>
    %add3A = vector.broadcast %get3A_8 : vector<1x256xf32> to vector<128x256xf32>
    %add3A_9 = arith.addf %dot_general3A_5, %add3A : vector<128x256xf32>
    %max3A = arith.constant 0.000000e+00 : f32
    %max3A_10 = vector.broadcast %max3A : f32 to vector<128x256xf32>
    %max3A_11 = arith.maximumf %add3A_9, %max3A_10 : vector<128x256xf32>
    %get3A_12 = arith.constant 0 : index
    %get3A_13 = arith.constant 0 : index
    %get3A_14 = vector.load %arg3[%get3A_12, %get3A_13] : memref<64x256xf32, #tpu.memory_space<vmem>>, vector<64x256xf32>
    %dot_general3A_15 = arith.constant dense<0.000000e+00> : vector<128x64xf32>
    %dot_general3A_16 = tpu.matmul %max3A_11, %get3A_14, %dot_general3A_15 {dimension_numbers = #tpu.dot_dimension_numbers<[1], [1], [0], [0], [0, 0, 1, 0], [], []>, transpose_lhs_hint = false} : vector<128x256xf32>, vector<64x256xf32>, vector<128x64xf32> -> vector<128x64xf32>
    %get3A_17 = arith.constant 0 : index
    %get3A_18 = arith.constant 0 : index
    %get3A_19 = vector.load %arg4[%get3A_17, %get3A_18] : memref<1x64xf32, #tpu.memory_space<vmem>>, vector<1x64xf32>
    %add3A_20 = vector.broadcast %get3A_19 : vector<1x64xf32> to vector<128x64xf32>
    %add3A_21 = arith.addf %dot_general3A_16, %add3A_20 : vector<128x64xf32>
    %get3A_22 = arith.constant 0 : index
    %get3A_23 = arith.constant 0 : index
    %get3A_24 = vector.load %arg5[%get3A_22, %get3A_23] : memref<1024x64xf32, #tpu.memory_space<vmem>>, vector<1024x64xf32>
    %dot_general3A_25 = arith.constant dense<0.000000e+00> : vector<128x1024xf32>
    %dot_general3A_26 = tpu.matmul %add3A_21, %get3A_24, %dot_general3A_25 {dimension_numbers = #tpu.dot_dimension_numbers<[1], [1], [0], [0], [0, 0, 1, 0], [], []>, transpose_lhs_hint = false} : vector<128x64xf32>, vector<1024x64xf32>, vector<128x1024xf32> -> vector<128x1024xf32>
    %get3A_27 = arith.constant 0 : index
    %get3A_28 = arith.constant 0 : index
    %get3A_29 = vector.load %arg6[%get3A_27, %get3A_28] : memref<1x1024xf32, #tpu.memory_space<vmem>>, vector<1x1024xf32>
    %add3A_30 = vector.broadcast %get3A_29 : vector<1x1024xf32> to vector<128x1024xf32>
    %add3A_31 = arith.addf %dot_general3A_26, %add3A_30 : vector<128x1024xf32>
    %max3A_32 = arith.constant 0.000000e+00 : f32
    %max3A_33 = vector.broadcast %max3A_32 : f32 to vector<128x1024xf32>
    %max3A_34 = arith.maximumf %add3A_31, %max3A_33 : vector<128x1024xf32>
    %swap3A = arith.constant 0 : index
    %swap3A_35 = arith.constant 0 : index
    %swap3A_36 = vector.load %arg7[%swap3A, %swap3A_35] : memref<128x1024xf32, #tpu.memory_space<vmem>>, vector<128x1024xf32>
    tpu.vector_store %arg7[%swap3A, %swap3A_35], %max3A_34 {strides = array<i32>} : memref<128x1024xf32, #tpu.memory_space<vmem>>, vector<128x1024xf32>,
    return
  }
}

module attributes {stable_mosaic.version = 14 : i64} {
  func.func @_z_body(%arg0: i32, %arg1: memref<128x1024xf32, #tpu.memory_space<vmem>>, %arg2: memref<2048x1024xf32, #tpu.memory_space<vmem>>, %arg3: memref<1x2048xf32, #tpu.memory_space<vmem>>, %arg4: memref<128x2048xf32, #tpu.memory_space<vmem>>, %arg5: memref<128x2048xf32, #tpu.memory_space<vmem>>) attributes {dimension_semantics = [#tpu.dimension_semantics<arbitrary>], iteration_bounds = array<i64: 77>, scalar_prefetch = 0 : i64, scratch_operands = 0 : i64, tpu.core_type = #tpu.core_type<tc>, window_params = [{pipeline_mode = #tpu.pipeline_mode<synchronous>, transform_indices = @transform_0, window_bounds = array<i64: 128, 1024>}, {transform_indices = @transform_1, window_bounds = array<i64: 2048, 1024>}, {transform_indices = @transform_2, window_bounds = array<i64: 1, 2048>}, {transform_indices = @transform_3, window_bounds = array<i64: 128, 2048>}, {transform_indices = @transform_4, window_bounds = array<i64: 128, 2048>}]} {
    %get3A = arith.constant 0 : index
    %get3A_0 = arith.constant 0 : index
    %get3A_1 = vector.load %arg1[%get3A, %get3A_0] : memref<128x1024xf32, #tpu.memory_space<vmem>>, vector<128x1024xf32>
    %get3A_2 = arith.constant 0 : index
    %get3A_3 = arith.constant 0 : index
    %get3A_4 = vector.load %arg2[%get3A_2, %get3A_3] : memref<2048x1024xf32, #tpu.memory_space<vmem>>, vector<2048x1024xf32>
    %dot_general3A = arith.constant dense<0.000000e+00> : vector<128x2048xf32>
    %dot_general3A_5 = tpu.matmul %get3A_1, %get3A_4, %dot_general3A {dimension_numbers = #tpu.dot_dimension_numbers<[1], [1], [0], [0], [0, 0, 1, 0], [], []>, transpose_lhs_hint = false} : vector<128x1024xf32>, vector<2048x1024xf32>, vector<128x2048xf32> -> vector<128x2048xf32>
    %get3A_6 = arith.constant 0 : index
    %get3A_7 = arith.constant 0 : index
    %get3A_8 = vector.load %arg3[%get3A_6, %get3A_7] : memref<1x2048xf32, #tpu.memory_space<vmem>>, vector<1x2048xf32>
    %add3A = vector.broadcast %get3A_8 : vector<1x2048xf32> to vector<128x2048xf32>
    %add3A_9 = arith.addf %dot_general3A_5, %add3A : vector<128x2048xf32>
    %max3A = arith.constant 0.000000e+00 : f32
    %max3A_10 = vector.broadcast %max3A : f32 to vector<128x2048xf32>
    %max3A_11 = arith.maximumf %add3A_9, %max3A_10 : vector<128x2048xf32>
    %get3A_12 = arith.constant 0 : index
    %get3A_13 = arith.constant 0 : index
    %get3A_14 = vector.load %arg4[%get3A_12, %get3A_13] : memref<128x2048xf32, #tpu.memory_space<vmem>>, vector<128x2048xf32>
    %add3A_15 = arith.addf %max3A_11, %get3A_14 : vector<128x2048xf32>
    %swap3A = arith.constant 0 : index
    %swap3A_16 = arith.constant 0 : index
    %swap3A_17 = vector.load %arg5[%swap3A, %swap3A_16] : memref<128x2048xf32, #tpu.memory_space<vmem>>, vector<128x2048xf32>
    tpu.vector_store %arg5[%swap3A, %swap3A_16], %add3A_15 {strides = array<i32>} : memref<128x2048xf32, #tpu.memory_space<vmem>>, vector<128x2048xf32>,
    return
  }
  func.func @transform_0(%arg0: i32) -> (i32, i32) {
    %c0_i32 = arith.constant 0 : i32
    %c0_i32_0 = arith.constant 0 : i32
    %c0_i32_1 = arith.constant 0 : i32
    return %c0_i32, %c0_i32_0 : i32, i32
  }
  func.func @transform_1(%arg0: i32) -> (i32, i32) {
    %c0_i32 = arith.constant 0 : i32
    %c0_i32_0 = arith.constant 0 : i32
    return %arg0, %c0_i32 : i32, i32
  }
  func.func @transform_2(%arg0: i32) -> (i32, i32) {
    %c0_i32 = arith.constant 0 : i32
    %c0_i32_0 = arith.constant 0 : i32
    return %c0_i32, %arg0 : i32, i32
  }
  func.func @transform_3(%arg0: i32) -> (i32, i32) {
    %c0_i32 = arith.constant 0 : i32
    %c0_i32_0 = arith.constant 0 : i32
    return %c0_i32, %arg0 : i32, i32
  }
  func.func @transform_4(%arg0: i32) -> (i32, i32) {
    %c0_i32 = arith.constant 0 : i32
    %c0_i32_0 = arith.constant 0 : i32
    return %c0_i32, %arg0 : i32, i32
  }
}

module attributes {stable_mosaic.version = 14 : i64} {
  func.func @_selall_body(%arg0: i32, %arg1: memref<8x156448xf32, #tpu.memory_space<vmem>>, %arg2: memref<8x16384xf32, #tpu.memory_space<vmem>>, %arg3: memref<8x256xf32, #tpu.memory_space<vmem>>, %arg4: memref<8x65536xf32, #tpu.memory_space<vmem>>, %arg5: memref<8x256xf32, #tpu.memory_space<vmem>>, %arg6: memref<8x65536xf32, #tpu.memory_space<vmem>>, %arg7: memref<8x256xf32, #tpu.memory_space<vmem>>, %arg8: memref<8x8192xf32, #tpu.memory_space<vmem>>, %arg9: memref<8x32xf32, #tpu.memory_space<vmem>>) attributes {dimension_semantics = [#tpu.dimension_semantics<arbitrary>], iteration_bounds = array<i64: 16>, scalar_prefetch = 0 : i64, scratch_operands = 0 : i64, tpu.core_type = #tpu.core_type<tc>, window_params = [{transform_indices = @transform_0, window_bounds = array<i64: 8, 156448>}, {transform_indices = @transform_1, window_bounds = array<i64: 8, 16384>}, {transform_indices = @transform_2, window_bounds = array<i64: 8, 256>}, {transform_indices = @transform_3, window_bounds = array<i64: 8, 65536>}, {transform_indices = @transform_4, window_bounds = array<i64: 8, 256>}, {transform_indices = @transform_5, window_bounds = array<i64: 8, 65536>}, {transform_indices = @transform_6, window_bounds = array<i64: 8, 256>}, {transform_indices = @transform_7, window_bounds = array<i64: 8, 8192>}, {transform_indices = @transform_8, window_bounds = array<i64: 8, 32>}]} {
    %get3A = arith.constant 0 : index
    %get3A_0 = arith.constant 0 : index
    %get3A_1 = vector.load %arg1[%get3A, %get3A_0] : memref<8x156448xf32, #tpu.memory_space<vmem>>, vector<8x16384xf32>
    %bitcast_convert_type3A = tpu.bitcast %get3A_1 : vector<8x16384xf32> -> vector<8x16384xi32>
    %ge3A = arith.constant 0 : i32
    %ge3A_2 = vector.broadcast %ge3A : i32 to vector<8x16384xi32>
    %ge3A_3 = arith.cmpi sge, %bitcast_convert_type3A, %ge3A_2 : vector<8x16384xi32>
    %xor3A = arith.constant 2147483647 : i32
    %xor3A_4 = vector.broadcast %xor3A : i32 to vector<8x16384xi32>
    %xor3A_5 = arith.xori %bitcast_convert_type3A, %xor3A_4 : vector<8x16384xi32>
    %select_n3A = arith.select %ge3A_3, %bitcast_convert_type3A, %xor3A_5 : vector<8x16384xi1>, vector<8x16384xi32>
    %broadcast_in_dim3A = arith.constant 0 : i32
    %broadcast_in_dim3A_6 = vector.broadcast %broadcast_in_dim3A : i32 to vector<8x1xi32>
    %scan3A = arith.constant 0 : i32
    %scan3A_7 = arith.constant 32 : i32
    %scan3A_8 = arith.addi %scan3A, %scan3A_7 : i32
    %scan3A_9 = arith.constant 1 : i32
    %scan3A_10 = scf.for %scan3A_223 = %scan3A to %scan3A_8 step %scan3A_9 iter_args(%scan3A_224 = %broadcast_in_dim3A_6) -> (vector<8x1xi32>)  : i32 {
      %sub3A = arith.constant 31 : i32
      %sub3A_225 = arith.subi %sub3A, %scan3A_223 : i32
      %shift_left3A = arith.constant 1 : i32
      %shift_left3A_226 = arith.shli %shift_left3A, %sub3A_225 : i32
      %or3A = vector.broadcast %shift_left3A_226 : i32 to vector<8x1xi32>
      %or3A_227 = arith.ori %scan3A_224, %or3A : vector<8x1xi32>
      %xor3A_228 = arith.constant -2147483648 : i32
      %xor3A_229 = vector.broadcast %xor3A_228 : i32 to vector<8x1xi32>
      %xor3A_230 = arith.xori %or3A_227, %xor3A_229 : vector<8x1xi32>
      %ge3A_231 = vector.broadcast %xor3A_230 : vector<8x1xi32> to vector<8x16384xi32>
      %ge3A_232 = arith.cmpi sge, %select_n3A, %ge3A_231 : vector<8x16384xi32>
      %convert_element_type3A_233 = arith.extui %ge3A_232 : vector<8x16384xi1> to vector<8x16384xi32>
      %reduce_sum3A = arith.constant dense<0> : vector<8xi32>
      %reduce_sum3A_234 = vector.multi_reduction <add>, %convert_element_type3A_233, %reduce_sum3A [1] : vector<8x16384xi32> to vector<8xi32>
      %broadcast_in_dim3A_235 = vector.shape_cast %reduce_sum3A_234 : vector<8xi32> to vector<8x1xi32>
      %ge3A_236 = arith.constant 8192 : i32
      %ge3A_237 = vector.broadcast %ge3A_236 : i32 to vector<8x1xi32>
      %ge3A_238 = arith.cmpi sge, %broadcast_in_dim3A_235, %ge3A_237 : vector<8x1xi32>
      %select_n3A_239 = arith.select %ge3A_238, %or3A_227, %scan3A_224 : vector<8x1xi1>, vector<8x1xi32>
      scf.yield %select_n3A_239 : vector<8x1xi32>
    }
    %scan3A_11 = arith.constant 32 : i32
    %xor3A_12 = arith.constant -2147483648 : i32
    %xor3A_13 = vector.broadcast %xor3A_12 : i32 to vector<8x1xi32>
    %xor3A_14 = arith.xori %scan3A_10, %xor3A_13 : vector<8x1xi32>
    %ge3A_15 = vector.broadcast %xor3A_14 : vector<8x1xi32> to vector<8x16384xi32>
    %ge3A_16 = arith.cmpi sge, %select_n3A, %ge3A_15 : vector<8x16384xi32>
    %convert_element_type3A = arith.extui %ge3A_16 : vector<8x16384xi1> to vector<8x16384xi32>
    %convert_element_type3A_17 = arith.sitofp %convert_element_type3A : vector<8x16384xi32> to vector<8x16384xf32>
    %swap3A = arith.constant 0 : index
    %swap3A_18 = arith.constant 0 : index
    %swap3A_19 = vector.load %arg2[%swap3A, %swap3A_18] : memref<8x16384xf32, #tpu.memory_space<vmem>>, vector<8x16384xf32>
    tpu.vector_store %arg2[%swap3A, %swap3A_18], %convert_element_type3A_17 {strides = array<i32>} : memref<8x16384xf32, #tpu.memory_space<vmem>>, vector<8x16384xf32>,
    %get3A_20 = arith.constant 0 : index
    %get3A_21 = arith.constant 16384 : index
    %get3A_22 = vector.load %arg1[%get3A_20, %get3A_21] : memref<8x156448xf32, #tpu.memory_space<vmem>>, vector<8x256xf32>
    %bitcast_convert_type3A_23 = tpu.bitcast %get3A_22 : vector<8x256xf32> -> vector<8x256xi32>
    %ge3A_24 = arith.constant 0 : i32
    %ge3A_25 = vector.broadcast %ge3A_24 : i32 to vector<8x256xi32>
    %ge3A_26 = arith.cmpi sge, %bitcast_convert_type3A_23, %ge3A_25 : vector<8x256xi32>
    %xor3A_27 = arith.constant 2147483647 : i32
    %xor3A_28 = vector.broadcast %xor3A_27 : i32 to vector<8x256xi32>
    %xor3A_29 = arith.xori %bitcast_convert_type3A_23, %xor3A_28 : vector<8x256xi32>
    %select_n3A_30 = arith.select %ge3A_26, %bitcast_convert_type3A_23, %xor3A_29 : vector<8x256xi1>, vector<8x256xi32>
    %broadcast_in_dim3A_31 = arith.constant 0 : i32
    %broadcast_in_dim3A_32 = vector.broadcast %broadcast_in_dim3A_31 : i32 to vector<8x1xi32>
    %scan3A_33 = arith.constant 0 : i32
    %scan3A_34 = arith.constant 32 : i32
    %scan3A_35 = arith.addi %scan3A_33, %scan3A_34 : i32
    %scan3A_36 = arith.constant 1 : i32
    %scan3A_37 = scf.for %scan3A_223 = %scan3A_33 to %scan3A_35 step %scan3A_36 iter_args(%scan3A_224 = %broadcast_in_dim3A_32) -> (vector<8x1xi32>)  : i32 {
      %sub3A = arith.constant 31 : i32
      %sub3A_225 = arith.subi %sub3A, %scan3A_223 : i32
      %shift_left3A = arith.constant 1 : i32
      %shift_left3A_226 = arith.shli %shift_left3A, %sub3A_225 : i32
      %or3A = vector.broadcast %shift_left3A_226 : i32 to vector<8x1xi32>
      %or3A_227 = arith.ori %scan3A_224, %or3A : vector<8x1xi32>
      %xor3A_228 = arith.constant -2147483648 : i32
      %xor3A_229 = vector.broadcast %xor3A_228 : i32 to vector<8x1xi32>
      %xor3A_230 = arith.xori %or3A_227, %xor3A_229 : vector<8x1xi32>
      %ge3A_231 = vector.broadcast %xor3A_230 : vector<8x1xi32> to vector<8x256xi32>
      %ge3A_232 = arith.cmpi sge, %select_n3A_30, %ge3A_231 : vector<8x256xi32>
      %convert_element_type3A_233 = arith.extui %ge3A_232 : vector<8x256xi1> to vector<8x256xi32>
      %reduce_sum3A = arith.constant dense<0> : vector<8xi32>
      %reduce_sum3A_234 = vector.multi_reduction <add>, %convert_element_type3A_233, %reduce_sum3A [1] : vector<8x256xi32> to vector<8xi32>
      %broadcast_in_dim3A_235 = vector.shape_cast %reduce_sum3A_234 : vector<8xi32> to vector<8x1xi32>
      %ge3A_236 = arith.constant 128 : i32
      %ge3A_237 = vector.broadcast %ge3A_236 : i32 to vector<8x1xi32>
      %ge3A_238 = arith.cmpi sge, %broadcast_in_dim3A_235, %ge3A_237 : vector<8x1xi32>
      %select_n3A_239 = arith.select %ge3A_238, %or3A_227, %scan3A_224 : vector<8x1xi1>, vector<8x1xi32>
      scf.yield %select_n3A_239 : vector<8x1xi32>
    }
    %scan3A_38 = arith.constant 32 : i32
    %xor3A_39 = arith.constant -2147483648 : i32
    %xor3A_40 = vector.broadcast %xor3A_39 : i32 to vector<8x1xi32>
    %xor3A_41 = arith.xori %scan3A_37, %xor3A_40 : vector<8x1xi32>
    %ge3A_42 = vector.broadcast %xor3A_41 : vector<8x1xi32> to vector<8x256xi32>
    %ge3A_43 = arith.cmpi sge, %select_n3A_30, %ge3A_42 : vector<8x256xi32>
    %convert_element_type3A_44 = arith.extui %ge3A_43 : vector<8x256xi1> to vector<8x256xi32>
    %convert_element_type3A_45 = arith.sitofp %convert_element_type3A_44 : vector<8x256xi32> to vector<8x256xf32>
    %swap3A_46 = arith.constant 0 : index
    %swap3A_47 = arith.constant 0 : index
    %swap3A_48 = vector.load %arg3[%swap3A_46, %swap3A_47] : memref<8x256xf32, #tpu.memory_space<vmem>>, vector<8x256xf32>
    tpu.vector_store %arg3[%swap3A_46, %swap3A_47], %convert_element_type3A_45 {strides = array<i32>} : memref<8x256xf32, #tpu.memory_space<vmem>>, vector<8x256xf32>,
    %get3A_49 = arith.constant 0 : index
    %get3A_50 = arith.constant 16640 : index
    %get3A_51 = vector.load %arg1[%get3A_49, %get3A_50] : memref<8x156448xf32, #tpu.memory_space<vmem>>, vector<8x65536xf32>
    %bitcast_convert_type3A_52 = tpu.bitcast %get3A_51 : vector<8x65536xf32> -> vector<8x65536xi32>
    %ge3A_53 = arith.constant 0 : i32
    %ge3A_54 = vector.broadcast %ge3A_53 : i32 to vector<8x65536xi32>
    %ge3A_55 = arith.cmpi sge, %bitcast_convert_type3A_52, %ge3A_54 : vector<8x65536xi32>
    %xor3A_56 = arith.constant 2147483647 : i32
    %xor3A_57 = vector.broadcast %xor3A_56 : i32 to vector<8x65536xi32>
    %xor3A_58 = arith.xori %bitcast_convert_type3A_52, %xor3A_57 : vector<8x65536xi32>
    %select_n3A_59 = arith.select %ge3A_55, %bitcast_convert_type3A_52, %xor3A_58 : vector<8x65536xi1>, vector<8x65536xi32>
    %broadcast_in_dim3A_60 = arith.constant 0 : i32
    %broadcast_in_dim3A_61 = vector.broadcast %broadcast_in_dim3A_60 : i32 to vector<8x1xi32>
    %scan3A_62 = arith.constant 0 : i32
    %scan3A_63 = arith.constant 32 : i32
    %scan3A_64 = arith.addi %scan3A_62, %scan3A_63 : i32
    %scan3A_65 = arith.constant 1 : i32
    %scan3A_66 = scf.for %scan3A_223 = %scan3A_62 to %scan3A_64 step %scan3A_65 iter_args(%scan3A_224 = %broadcast_in_dim3A_61) -> (vector<8x1xi32>)  : i32 {
      %sub3A = arith.constant 31 : i32
      %sub3A_225 = arith.subi %sub3A, %scan3A_223 : i32
      %shift_left3A = arith.constant 1 : i32
      %shift_left3A_226 = arith.shli %shift_left3A, %sub3A_225 : i32
      %or3A = vector.broadcast %shift_left3A_226 : i32 to vector<8x1xi32>
      %or3A_227 = arith.ori %scan3A_224, %or3A : vector<8x1xi32>
      %xor3A_228 = arith.constant -2147483648 : i32
      %xor3A_229 = vector.broadcast %xor3A_228 : i32 to vector<8x1xi32>
      %xor3A_230 = arith.xori %or3A_227, %xor3A_229 : vector<8x1xi32>
      %ge3A_231 = vector.broadcast %xor3A_230 : vector<8x1xi32> to vector<8x65536xi32>
      %ge3A_232 = arith.cmpi sge, %select_n3A_59, %ge3A_231 : vector<8x65536xi32>
      %convert_element_type3A_233 = arith.extui %ge3A_232 : vector<8x65536xi1> to vector<8x65536xi32>
      %reduce_sum3A = arith.constant dense<0> : vector<8xi32>
      %reduce_sum3A_234 = vector.multi_reduction <add>, %convert_element_type3A_233, %reduce_sum3A [1] : vector<8x65536xi32> to vector<8xi32>
      %broadcast_in_dim3A_235 = vector.shape_cast %reduce_sum3A_234 : vector<8xi32> to vector<8x1xi32>
      %ge3A_236 = arith.constant 32768 : i32
      %ge3A_237 = vector.broadcast %ge3A_236 : i32 to vector<8x1xi32>
      %ge3A_238 = arith.cmpi sge, %broadcast_in_dim3A_235, %ge3A_237 : vector<8x1xi32>
      %select_n3A_239 = arith.select %ge3A_238, %or3A_227, %scan3A_224 : vector<8x1xi1>, vector<8x1xi32>
      scf.yield %select_n3A_239 : vector<8x1xi32>
    }
    %scan3A_67 = arith.constant 32 : i32
    %xor3A_68 = arith.constant -2147483648 : i32
    %xor3A_69 = vector.broadcast %xor3A_68 : i32 to vector<8x1xi32>
    %xor3A_70 = arith.xori %scan3A_66, %xor3A_69 : vector<8x1xi32>
    %ge3A_71 = vector.broadcast %xor3A_70 : vector<8x1xi32> to vector<8x65536xi32>
    %ge3A_72 = arith.cmpi sge, %select_n3A_59, %ge3A_71 : vector<8x65536xi32>
    %convert_element_type3A_73 = arith.extui %ge3A_72 : vector<8x65536xi1> to vector<8x65536xi32>
    %convert_element_type3A_74 = arith.sitofp %convert_element_type3A_73 : vector<8x65536xi32> to vector<8x65536xf32>
    %swap3A_75 = arith.constant 0 : index
    %swap3A_76 = arith.constant 0 : index
    %swap3A_77 = vector.load %arg4[%swap3A_75, %swap3A_76] : memref<8x65536xf32, #tpu.memory_space<vmem>>, vector<8x65536xf32>
    tpu.vector_store %arg4[%swap3A_75, %swap3A_76], %convert_element_type3A_74 {strides = array<i32>} : memref<8x65536xf32, #tpu.memory_space<vmem>>, vector<8x65536xf32>,
    %get3A_78 = arith.constant 0 : index
    %get3A_79 = arith.constant 82176 : index
    %get3A_80 = vector.load %arg1[%get3A_78, %get3A_79] : memref<8x156448xf32, #tpu.memory_space<vmem>>, vector<8x256xf32>
    %bitcast_convert_type3A_81 = tpu.bitcast %get3A_80 : vector<8x256xf32> -> vector<8x256xi32>
    %ge3A_82 = arith.constant 0 : i32
    %ge3A_83 = vector.broadcast %ge3A_82 : i32 to vector<8x256xi32>
    %ge3A_84 = arith.cmpi sge, %bitcast_convert_type3A_81, %ge3A_83 : vector<8x256xi32>
    %xor3A_85 = arith.constant 2147483647 : i32
    %xor3A_86 = vector.broadcast %xor3A_85 : i32 to vector<8x256xi32>
    %xor3A_87 = arith.xori %bitcast_convert_type3A_81, %xor3A_86 : vector<8x256xi32>
    %select_n3A_88 = arith.select %ge3A_84, %bitcast_convert_type3A_81, %xor3A_87 : vector<8x256xi1>, vector<8x256xi32>
    %broadcast_in_dim3A_89 = arith.constant 0 : i32
    %broadcast_in_dim3A_90 = vector.broadcast %broadcast_in_dim3A_89 : i32 to vector<8x1xi32>
    %scan3A_91 = arith.constant 0 : i32
    %scan3A_92 = arith.constant 32 : i32
    %scan3A_93 = arith.addi %scan3A_91, %scan3A_92 : i32
    %scan3A_94 = arith.constant 1 : i32
    %scan3A_95 = scf.for %scan3A_223 = %scan3A_91 to %scan3A_93 step %scan3A_94 iter_args(%scan3A_224 = %broadcast_in_dim3A_90) -> (vector<8x1xi32>)  : i32 {
      %sub3A = arith.constant 31 : i32
      %sub3A_225 = arith.subi %sub3A, %scan3A_223 : i32
      %shift_left3A = arith.constant 1 : i32
      %shift_left3A_226 = arith.shli %shift_left3A, %sub3A_225 : i32
      %or3A = vector.broadcast %shift_left3A_226 : i32 to vector<8x1xi32>
      %or3A_227 = arith.ori %scan3A_224, %or3A : vector<8x1xi32>
      %xor3A_228 = arith.constant -2147483648 : i32
      %xor3A_229 = vector.broadcast %xor3A_228 : i32 to vector<8x1xi32>
      %xor3A_230 = arith.xori %or3A_227, %xor3A_229 : vector<8x1xi32>
      %ge3A_231 = vector.broadcast %xor3A_230 : vector<8x1xi32> to vector<8x256xi32>
      %ge3A_232 = arith.cmpi sge, %select_n3A_88, %ge3A_231 : vector<8x256xi32>
      %convert_element_type3A_233 = arith.extui %ge3A_232 : vector<8x256xi1> to vector<8x256xi32>
      %reduce_sum3A = arith.constant dense<0> : vector<8xi32>
      %reduce_sum3A_234 = vector.multi_reduction <add>, %convert_element_type3A_233, %reduce_sum3A [1] : vector<8x256xi32> to vector<8xi32>
      %broadcast_in_dim3A_235 = vector.shape_cast %reduce_sum3A_234 : vector<8xi32> to vector<8x1xi32>
      %ge3A_236 = arith.constant 128 : i32
      %ge3A_237 = vector.broadcast %ge3A_236 : i32 to vector<8x1xi32>
      %ge3A_238 = arith.cmpi sge, %broadcast_in_dim3A_235, %ge3A_237 : vector<8x1xi32>
      %select_n3A_239 = arith.select %ge3A_238, %or3A_227, %scan3A_224 : vector<8x1xi1>, vector<8x1xi32>
      scf.yield %select_n3A_239 : vector<8x1xi32>
    }
    %scan3A_96 = arith.constant 32 : i32
    %xor3A_97 = arith.constant -2147483648 : i32
    %xor3A_98 = vector.broadcast %xor3A_97 : i32 to vector<8x1xi32>
    %xor3A_99 = arith.xori %scan3A_95, %xor3A_98 : vector<8x1xi32>
    %ge3A_100 = vector.broadcast %xor3A_99 : vector<8x1xi32> to vector<8x256xi32>
    %ge3A_101 = arith.cmpi sge, %select_n3A_88, %ge3A_100 : vector<8x256xi32>
    %convert_element_type3A_102 = arith.extui %ge3A_101 : vector<8x256xi1> to vector<8x256xi32>
    %convert_element_type3A_103 = arith.sitofp %convert_element_type3A_102 : vector<8x256xi32> to vector<8x256xf32>
    %swap3A_104 = arith.constant 0 : index
    %swap3A_105 = arith.constant 0 : index
    %swap3A_106 = vector.load %arg5[%swap3A_104, %swap3A_105] : memref<8x256xf32, #tpu.memory_space<vmem>>, vector<8x256xf32>
    tpu.vector_store %arg5[%swap3A_104, %swap3A_105], %convert_element_type3A_103 {strides = array<i32>} : memref<8x256xf32, #tpu.memory_space<vmem>>, vector<8x256xf32>,
    %get3A_107 = arith.constant 0 : index
    %get3A_108 = arith.constant 82432 : index
    %get3A_109 = vector.load %arg1[%get3A_107, %get3A_108] : memref<8x156448xf32, #tpu.memory_space<vmem>>, vector<8x65536xf32>
    %bitcast_convert_type3A_110 = tpu.bitcast %get3A_109 : vector<8x65536xf32> -> vector<8x65536xi32>
    %ge3A_111 = arith.constant 0 : i32
    %ge3A_112 = vector.broadcast %ge3A_111 : i32 to vector<8x65536xi32>
    %ge3A_113 = arith.cmpi sge, %bitcast_convert_type3A_110, %ge3A_112 : vector<8x65536xi32>
    %xor3A_114 = arith.constant 2147483647 : i32
    %xor3A_115 = vector.broadcast %xor3A_114 : i32 to vector<8x65536xi32>
    %xor3A_116 = arith.xori %bitcast_convert_type3A_110, %xor3A_115 : vector<8x65536xi32>
    %select_n3A_117 = arith.select %ge3A_113, %bitcast_convert_type3A_110, %xor3A_116 : vector<8x65536xi1>, vector<8x65536xi32>
    %broadcast_in_dim3A_118 = arith.constant 0 : i32
    %broadcast_in_dim3A_119 = vector.broadcast %broadcast_in_dim3A_118 : i32 to vector<8x1xi32>
    %scan3A_120 = arith.constant 0 : i32
    %scan3A_121 = arith.constant 32 : i32
    %scan3A_122 = arith.addi %scan3A_120, %scan3A_121 : i32
    %scan3A_123 = arith.constant 1 : i32
    %scan3A_124 = scf.for %scan3A_223 = %scan3A_120 to %scan3A_122 step %scan3A_123 iter_args(%scan3A_224 = %broadcast_in_dim3A_119) -> (vector<8x1xi32>)  : i32 {
      %sub3A = arith.constant 31 : i32
      %sub3A_225 = arith.subi %sub3A, %scan3A_223 : i32
      %shift_left3A = arith.constant 1 : i32
      %shift_left3A_226 = arith.shli %shift_left3A, %sub3A_225 : i32
      %or3A = vector.broadcast %shift_left3A_226 : i32 to vector<8x1xi32>
      %or3A_227 = arith.ori %scan3A_224, %or3A : vector<8x1xi32>
      %xor3A_228 = arith.constant -2147483648 : i32
      %xor3A_229 = vector.broadcast %xor3A_228 : i32 to vector<8x1xi32>
      %xor3A_230 = arith.xori %or3A_227, %xor3A_229 : vector<8x1xi32>
      %ge3A_231 = vector.broadcast %xor3A_230 : vector<8x1xi32> to vector<8x65536xi32>
      %ge3A_232 = arith.cmpi sge, %select_n3A_117, %ge3A_231 : vector<8x65536xi32>
      %convert_element_type3A_233 = arith.extui %ge3A_232 : vector<8x65536xi1> to vector<8x65536xi32>
      %reduce_sum3A = arith.constant dense<0> : vector<8xi32>
      %reduce_sum3A_234 = vector.multi_reduction <add>, %convert_element_type3A_233, %reduce_sum3A [1] : vector<8x65536xi32> to vector<8xi32>
      %broadcast_in_dim3A_235 = vector.shape_cast %reduce_sum3A_234 : vector<8xi32> to vector<8x1xi32>
      %ge3A_236 = arith.constant 32768 : i32
      %ge3A_237 = vector.broadcast %ge3A_236 : i32 to vector<8x1xi32>
      %ge3A_238 = arith.cmpi sge, %broadcast_in_dim3A_235, %ge3A_237 : vector<8x1xi32>
      %select_n3A_239 = arith.select %ge3A_238, %or3A_227, %scan3A_224 : vector<8x1xi1>, vector<8x1xi32>
      scf.yield %select_n3A_239 : vector<8x1xi32>
    }
    %scan3A_125 = arith.constant 32 : i32
    %xor3A_126 = arith.constant -2147483648 : i32
    %xor3A_127 = vector.broadcast %xor3A_126 : i32 to vector<8x1xi32>
    %xor3A_128 = arith.xori %scan3A_124, %xor3A_127 : vector<8x1xi32>
    %ge3A_129 = vector.broadcast %xor3A_128 : vector<8x1xi32> to vector<8x65536xi32>
    %ge3A_130 = arith.cmpi sge, %select_n3A_117, %ge3A_129 : vector<8x65536xi32>
    %convert_element_type3A_131 = arith.extui %ge3A_130 : vector<8x65536xi1> to vector<8x65536xi32>
    %convert_element_type3A_132 = arith.sitofp %convert_element_type3A_131 : vector<8x65536xi32> to vector<8x65536xf32>
    %swap3A_133 = arith.constant 0 : index
    %swap3A_134 = arith.constant 0 : index
    %swap3A_135 = vector.load %arg6[%swap3A_133, %swap3A_134] : memref<8x65536xf32, #tpu.memory_space<vmem>>, vector<8x65536xf32>
    tpu.vector_store %arg6[%swap3A_133, %swap3A_134], %convert_element_type3A_132 {strides = array<i32>} : memref<8x65536xf32, #tpu.memory_space<vmem>>, vector<8x65536xf32>,
    %get3A_136 = arith.constant 0 : index
    %get3A_137 = arith.constant 147968 : index
    %get3A_138 = vector.load %arg1[%get3A_136, %get3A_137] : memref<8x156448xf32, #tpu.memory_space<vmem>>, vector<8x256xf32>
    %bitcast_convert_type3A_139 = tpu.bitcast %get3A_138 : vector<8x256xf32> -> vector<8x256xi32>
    %ge3A_140 = arith.constant 0 : i32
    %ge3A_141 = vector.broadcast %ge3A_140 : i32 to vector<8x256xi32>
    %ge3A_142 = arith.cmpi sge, %bitcast_convert_type3A_139, %ge3A_141 : vector<8x256xi32>
    %xor3A_143 = arith.constant 2147483647 : i32
    %xor3A_144 = vector.broadcast %xor3A_143 : i32 to vector<8x256xi32>
    %xor3A_145 = arith.xori %bitcast_convert_type3A_139, %xor3A_144 : vector<8x256xi32>
    %select_n3A_146 = arith.select %ge3A_142, %bitcast_convert_type3A_139, %xor3A_145 : vector<8x256xi1>, vector<8x256xi32>
    %broadcast_in_dim3A_147 = arith.constant 0 : i32
    %broadcast_in_dim3A_148 = vector.broadcast %broadcast_in_dim3A_147 : i32 to vector<8x1xi32>
    %scan3A_149 = arith.constant 0 : i32
    %scan3A_150 = arith.constant 32 : i32
    %scan3A_151 = arith.addi %scan3A_149, %scan3A_150 : i32
    %scan3A_152 = arith.constant 1 : i32
    %scan3A_153 = scf.for %scan3A_223 = %scan3A_149 to %scan3A_151 step %scan3A_152 iter_args(%scan3A_224 = %broadcast_in_dim3A_148) -> (vector<8x1xi32>)  : i32 {
      %sub3A = arith.constant 31 : i32
      %sub3A_225 = arith.subi %sub3A, %scan3A_223 : i32
      %shift_left3A = arith.constant 1 : i32
      %shift_left3A_226 = arith.shli %shift_left3A, %sub3A_225 : i32
      %or3A = vector.broadcast %shift_left3A_226 : i32 to vector<8x1xi32>
      %or3A_227 = arith.ori %scan3A_224, %or3A : vector<8x1xi32>
      %xor3A_228 = arith.constant -2147483648 : i32
      %xor3A_229 = vector.broadcast %xor3A_228 : i32 to vector<8x1xi32>
      %xor3A_230 = arith.xori %or3A_227, %xor3A_229 : vector<8x1xi32>
      %ge3A_231 = vector.broadcast %xor3A_230 : vector<8x1xi32> to vector<8x256xi32>
      %ge3A_232 = arith.cmpi sge, %select_n3A_146, %ge3A_231 : vector<8x256xi32>
      %convert_element_type3A_233 = arith.extui %ge3A_232 : vector<8x256xi1> to vector<8x256xi32>
      %reduce_sum3A = arith.constant dense<0> : vector<8xi32>
      %reduce_sum3A_234 = vector.multi_reduction <add>, %convert_element_type3A_233, %reduce_sum3A [1] : vector<8x256xi32> to vector<8xi32>
      %broadcast_in_dim3A_235 = vector.shape_cast %reduce_sum3A_234 : vector<8xi32> to vector<8x1xi32>
      %ge3A_236 = arith.constant 128 : i32
      %ge3A_237 = vector.broadcast %ge3A_236 : i32 to vector<8x1xi32>
      %ge3A_238 = arith.cmpi sge, %broadcast_in_dim3A_235, %ge3A_237 : vector<8x1xi32>
      %select_n3A_239 = arith.select %ge3A_238, %or3A_227, %scan3A_224 : vector<8x1xi1>, vector<8x1xi32>
      scf.yield %select_n3A_239 : vector<8x1xi32>
    }
    %scan3A_154 = arith.constant 32 : i32
    %xor3A_155 = arith.constant -2147483648 : i32
    %xor3A_156 = vector.broadcast %xor3A_155 : i32 to vector<8x1xi32>
    %xor3A_157 = arith.xori %scan3A_153, %xor3A_156 : vector<8x1xi32>
    %ge3A_158 = vector.broadcast %xor3A_157 : vector<8x1xi32> to vector<8x256xi32>
    %ge3A_159 = arith.cmpi sge, %select_n3A_146, %ge3A_158 : vector<8x256xi32>
    %convert_element_type3A_160 = arith.extui %ge3A_159 : vector<8x256xi1> to vector<8x256xi32>
    %convert_element_type3A_161 = arith.sitofp %convert_element_type3A_160 : vector<8x256xi32> to vector<8x256xf32>
    %swap3A_162 = arith.constant 0 : index
    %swap3A_163 = arith.constant 0 : index
    %swap3A_164 = vector.load %arg7[%swap3A_162, %swap3A_163] : memref<8x256xf32, #tpu.memory_space<vmem>>, vector<8x256xf32>
    tpu.vector_store %arg7[%swap3A_162, %swap3A_163], %convert_element_type3A_161 {strides = array<i32>} : memref<8x256xf32, #tpu.memory_space<vmem>>, vector<8x256xf32>,
    %get3A_165 = arith.constant 0 : index
    %get3A_166 = arith.constant 148224 : index
    %get3A_167 = vector.load %arg1[%get3A_165, %get3A_166] : memref<8x156448xf32, #tpu.memory_space<vmem>>, vector<8x8192xf32>
    %bitcast_convert_type3A_168 = tpu.bitcast %get3A_167 : vector<8x8192xf32> -> vector<8x8192xi32>
    %ge3A_169 = arith.constant 0 : i32
    %ge3A_170 = vector.broadcast %ge3A_169 : i32 to vector<8x8192xi32>
    %ge3A_171 = arith.cmpi sge, %bitcast_convert_type3A_168, %ge3A_170 : vector<8x8192xi32>
    %xor3A_172 = arith.constant 2147483647 : i32
    %xor3A_173 = vector.broadcast %xor3A_172 : i32 to vector<8x8192xi32>
    %xor3A_174 = arith.xori %bitcast_convert_type3A_168, %xor3A_173 : vector<8x8192xi32>
    %select_n3A_175 = arith.select %ge3A_171, %bitcast_convert_type3A_168, %xor3A_174 : vector<8x8192xi1>, vector<8x8192xi32>
    %broadcast_in_dim3A_176 = arith.constant 0 : i32
    %broadcast_in_dim3A_177 = vector.broadcast %broadcast_in_dim3A_176 : i32 to vector<8x1xi32>
    %scan3A_178 = arith.constant 0 : i32
    %scan3A_179 = arith.constant 32 : i32
    %scan3A_180 = arith.addi %scan3A_178, %scan3A_179 : i32
    %scan3A_181 = arith.constant 1 : i32
    %scan3A_182 = scf.for %scan3A_223 = %scan3A_178 to %scan3A_180 step %scan3A_181 iter_args(%scan3A_224 = %broadcast_in_dim3A_177) -> (vector<8x1xi32>)  : i32 {
      %sub3A = arith.constant 31 : i32
      %sub3A_225 = arith.subi %sub3A, %scan3A_223 : i32
      %shift_left3A = arith.constant 1 : i32
      %shift_left3A_226 = arith.shli %shift_left3A, %sub3A_225 : i32
      %or3A = vector.broadcast %shift_left3A_226 : i32 to vector<8x1xi32>
      %or3A_227 = arith.ori %scan3A_224, %or3A : vector<8x1xi32>
      %xor3A_228 = arith.constant -2147483648 : i32
      %xor3A_229 = vector.broadcast %xor3A_228 : i32 to vector<8x1xi32>
      %xor3A_230 = arith.xori %or3A_227, %xor3A_229 : vector<8x1xi32>
      %ge3A_231 = vector.broadcast %xor3A_230 : vector<8x1xi32> to vector<8x8192xi32>
      %ge3A_232 = arith.cmpi sge, %select_n3A_175, %ge3A_231 : vector<8x8192xi32>
      %convert_element_type3A_233 = arith.extui %ge3A_232 : vector<8x8192xi1> to vector<8x8192xi32>
      %reduce_sum3A = arith.constant dense<0> : vector<8xi32>
      %reduce_sum3A_234 = vector.multi_reduction <add>, %convert_element_type3A_233, %reduce_sum3A [1] : vector<8x8192xi32> to vector<8xi32>
      %broadcast_in_dim3A_235 = vector.shape_cast %reduce_sum3A_234 : vector<8xi32> to vector<8x1xi32>
      %ge3A_236 = arith.constant 4096 : i32
      %ge3A_237 = vector.broadcast %ge3A_236 : i32 to vector<8x1xi32>
      %ge3A_238 = arith.cmpi sge, %broadcast_in_dim3A_235, %ge3A_237 : vector<8x1xi32>
      %select_n3A_239 = arith.select %ge3A_238, %or3A_227, %scan3A_224 : vector<8x1xi1>, vector<8x1xi32>
      scf.yield %select_n3A_239 : vector<8x1xi32>
    }
    %scan3A_183 = arith.constant 32 : i32
    %xor3A_184 = arith.constant -2147483648 : i32
    %xor3A_185 = vector.broadcast %xor3A_184 : i32 to vector<8x1xi32>
    %xor3A_186 = arith.xori %scan3A_182, %xor3A_185 : vector<8x1xi32>
    %ge3A_187 = vector.broadcast %xor3A_186 : vector<8x1xi32> to vector<8x8192xi32>
    %ge3A_188 = arith.cmpi sge, %select_n3A_175, %ge3A_187 : vector<8x8192xi32>
    %convert_element_type3A_189 = arith.extui %ge3A_188 : vector<8x8192xi1> to vector<8x8192xi32>
    %convert_element_type3A_190 = arith.sitofp %convert_element_type3A_189 : vector<8x8192xi32> to vector<8x8192xf32>
    %swap3A_191 = arith.constant 0 : index
    %swap3A_192 = arith.constant 0 : index
    %swap3A_193 = vector.load %arg8[%swap3A_191, %swap3A_192] : memref<8x8192xf32, #tpu.memory_space<vmem>>, vector<8x8192xf32>
    tpu.vector_store %arg8[%swap3A_191, %swap3A_192], %convert_element_type3A_190 {strides = array<i32>} : memref<8x8192xf32, #tpu.memory_space<vmem>>, vector<8x8192xf32>,
    %get3A_194 = arith.constant 0 : index
    %get3A_195 = arith.constant 156416 : index
    %get3A_196 = vector.load %arg1[%get3A_194, %get3A_195] : memref<8x156448xf32, #tpu.memory_space<vmem>>, vector<8x32xf32>
    %bitcast_convert_type3A_197 = tpu.bitcast %get3A_196 : vector<8x32xf32> -> vector<8x32xi32>
    %ge3A_198 = arith.constant 0 : i32
    %ge3A_199 = vector.broadcast %ge3A_198 : i32 to vector<8x32xi32>
    %ge3A_200 = arith.cmpi sge, %bitcast_convert_type3A_197, %ge3A_199 : vector<8x32xi32>
    %xor3A_201 = arith.constant 2147483647 : i32
    %xor3A_202 = vector.broadcast %xor3A_201 : i32 to vector<8x32xi32>
    %xor3A_203 = arith.xori %bitcast_convert_type3A_197, %xor3A_202 : vector<8x32xi32>
    %select_n3A_204 = arith.select %ge3A_200, %bitcast_convert_type3A_197, %xor3A_203 : vector<8x32xi1>, vector<8x32xi32>
    %broadcast_in_dim3A_205 = arith.constant 0 : i32
    %broadcast_in_dim3A_206 = vector.broadcast %broadcast_in_dim3A_205 : i32 to vector<8x1xi32>
    %scan3A_207 = arith.constant 0 : i32
    %scan3A_208 = arith.constant 32 : i32
    %scan3A_209 = arith.addi %scan3A_207, %scan3A_208 : i32
    %scan3A_210 = arith.constant 1 : i32
    %scan3A_211 = scf.for %scan3A_223 = %scan3A_207 to %scan3A_209 step %scan3A_210 iter_args(%scan3A_224 = %broadcast_in_dim3A_206) -> (vector<8x1xi32>)  : i32 {
      %sub3A = arith.constant 31 : i32
      %sub3A_225 = arith.subi %sub3A, %scan3A_223 : i32
      %shift_left3A = arith.constant 1 : i32
      %shift_left3A_226 = arith.shli %shift_left3A, %sub3A_225 : i32
      %or3A = vector.broadcast %shift_left3A_226 : i32 to vector<8x1xi32>
      %or3A_227 = arith.ori %scan3A_224, %or3A : vector<8x1xi32>
      %xor3A_228 = arith.constant -2147483648 : i32
      %xor3A_229 = vector.broadcast %xor3A_228 : i32 to vector<8x1xi32>
      %xor3A_230 = arith.xori %or3A_227, %xor3A_229 : vector<8x1xi32>
      %ge3A_231 = vector.broadcast %xor3A_230 : vector<8x1xi32> to vector<8x32xi32>
      %ge3A_232 = arith.cmpi sge, %select_n3A_204, %ge3A_231 : vector<8x32xi32>
      %convert_element_type3A_233 = arith.extui %ge3A_232 : vector<8x32xi1> to vector<8x32xi32>
      %reduce_sum3A = arith.constant dense<0> : vector<8xi32>
      %reduce_sum3A_234 = vector.multi_reduction <add>, %convert_element_type3A_233, %reduce_sum3A [1] : vector<8x32xi32> to vector<8xi32>
      %broadcast_in_dim3A_235 = vector.shape_cast %reduce_sum3A_234 : vector<8xi32> to vector<8x1xi32>
      %ge3A_236 = arith.constant 16 : i32
      %ge3A_237 = vector.broadcast %ge3A_236 : i32 to vector<8x1xi32>
      %ge3A_238 = arith.cmpi sge, %broadcast_in_dim3A_235, %ge3A_237 : vector<8x1xi32>
      %select_n3A_239 = arith.select %ge3A_238, %or3A_227, %scan3A_224 : vector<8x1xi1>, vector<8x1xi32>
      scf.yield %select_n3A_239 : vector<8x1xi32>
    }
    %scan3A_212 = arith.constant 32 : i32
    %xor3A_213 = arith.constant -2147483648 : i32
    %xor3A_214 = vector.broadcast %xor3A_213 : i32 to vector<8x1xi32>
    %xor3A_215 = arith.xori %scan3A_211, %xor3A_214 : vector<8x1xi32>
    %ge3A_216 = vector.broadcast %xor3A_215 : vector<8x1xi32> to vector<8x32xi32>
    %ge3A_217 = arith.cmpi sge, %select_n3A_204, %ge3A_216 : vector<8x32xi32>
    %convert_element_type3A_218 = arith.extui %ge3A_217 : vector<8x32xi1> to vector<8x32xi32>
    %convert_element_type3A_219 = arith.sitofp %convert_element_type3A_218 : vector<8x32xi32> to vector<8x32xf32>
    %swap3A_220 = arith.constant 0 : index
    %swap3A_221 = arith.constant 0 : index
    %swap3A_222 = vector.load %arg9[%swap3A_220, %swap3A_221] : memref<8x32xf32, #tpu.memory_space<vmem>>, vector<8x32xf32>
    tpu.vector_store %arg9[%swap3A_220, %swap3A_221], %convert_element_type3A_219 {strides = array<i32>} : memref<8x32xf32, #tpu.memory_space<vmem>>, vector<8x32xf32>,
    return
  }
  func.func @transform_0(%arg0: i32) -> (i32, i32) {
    %c0_i32 = arith.constant 0 : i32
    %c0_i32_0 = arith.constant 0 : i32
    return %arg0, %c0_i32 : i32, i32
  }
  func.func @transform_1(%arg0: i32) -> (i32, i32) {
    %c0_i32 = arith.constant 0 : i32
    %c0_i32_0 = arith.constant 0 : i32
    return %arg0, %c0_i32 : i32, i32
  }
  func.func @transform_2(%arg0: i32) -> (i32, i32) {
    %c0_i32 = arith.constant 0 : i32
    %c0_i32_0 = arith.constant 0 : i32
    return %arg0, %c0_i32 : i32, i32
  }
  func.func @transform_3(%arg0: i32) -> (i32, i32) {
    %c0_i32 = arith.constant 0 : i32
    %c0_i32_0 = arith.constant 0 : i32
    return %arg0, %c0_i32 : i32, i32
  }
  func.func @transform_4(%arg0: i32) -> (i32, i32) {
    %c0_i32 = arith.constant 0 : i32
    %c0_i32_0 = arith.constant 0 : i32
    return %arg0, %c0_i32 : i32, i32
  }
  func.func @transform_5(%arg0: i32) -> (i32, i32) {
    %c0_i32 = arith.constant 0 : i32
    %c0_i32_0 = arith.constant 0 : i32
    return %arg0, %c0_i32 : i32, i32
  }
  func.func @transform_6(%arg0: i32) -> (i32, i32) {
    %c0_i32 = arith.constant 0 : i32
    %c0_i32_0 = arith.constant 0 : i32
    return %arg0, %c0_i32 : i32, i32
  }
  func.func @transform_7(%arg0: i32) -> (i32, i32) {
    %c0_i32 = arith.constant 0 : i32
    %c0_i32_0 = arith.constant 0 : i32
    return %arg0, %c0_i32 : i32, i32
  }
  func.func @transform_8(%arg0: i32) -> (i32, i32) {
    %c0_i32 = arith.constant 0 : i32
    %c0_i32_0 = arith.constant 0 : i32
    return %arg0, %c0_i32 : i32, i32
  }
}

</mosaic_0001>

<sc_bundles>
// kernel: sparse-core-data-format-call.1.cloned.1.call-start
scs
called_computation.1_lowered:
.L_overlay_start_0:
0x0: {  	s2 =	sld [smem:$0x3FD9]  }
0x1: {  	s3 =	sld [smem:$0x3FFE];
	_ =	sdelay $0x1  }
0x2: {  	s1 =	srdreg.scid  }
0x3: {  	s0 =	sand.u32 $0x1, s1  }
0x4: {  	s15 =	sshll.u32 s0, $0xA;
	s2 =	sadd.s32 s3, s2  }
0x5: {  	s2 =	sadd.s32 s2, s15  }
0x6: {  	[smem:$0x3FBF] =	sst s2  }
0x7: {  	_ = 	snop  }
0x8: {  	s2 =	sld [smem:$0x3FD0];
	_ =	sdelay $0x2  }
0x9: {  	s16 =	simm.s32 $0xB;
	s4 =	simm.s32 $0x10  }
0xa: {  	[smem:s4], [sflag:s16] =	dma.local [hbm:s2], $0x1  }
0xb: {  	_ =	swait.eq [sflag:s16], $0x1  }
0xc: {  	[sflag:s16] =	ssyncset.done $0x0  }
0xd: {  	[sflag:s16] =	ssyncadd.s32 $0xFFFFFFFF  }
0xe: {  	s17 =	sld [smem:$0x12];
	(tm) =	ssettm $0x1  }
0xf: {  	s18 =	sld [smem:$0x3FFB];
	_ =	sdelay $0x3  }
0x10: {  	_ =	strace s18  }
0x11: {  	s3 =	sld [smem:$0x3FFC];
	_ =	sdelay $0x3  }
0x12: {  	_ =	strace s3  }
0x13: {  	s3 =	sld [smem:$0x3FFD];
	_ =	sdelay $0x3  }
0x14: {  	_ =	strace s3  }
0x15: {  	_ =	strace $0x8FFFFFFF  }
0x16: {  	s19 =	sld [smem:$0x3FDB];
	_ =	sdelay $0x1  }
0x17: {  	s20 =	simm.s32 $_scs_section_size  }
0x18: {  	s5 =	simm.s32 $_size__tile_overlayer_lowered;
	s6 =	simm.s32 $_tile_overlayer_lowered  }
0x19: {  	s23 =	simm.s32 $0x1BFF;
	s22 =	sshll.u32 s6, $0x1;
	s3 =	sadd.s32 s20, s19  }
0x1a: {  	s7 =	simm.s32 $0x0;
	s21 =	sshll.u32 s5, $0x1;
	s5 =	sadd.s32 s22, s3  }
0x1b: {  	[timem:s7], [sflag:s23] =	dma.local [hbm:s5], s21  }
0x1c: {  	_ =	swait.ge [sflag:s23], s21  }
0x1d: {  	s4 =	ssub.s32 $0x0, s21;
	[sflag:s23] =	ssyncset.done $0x0  }
0x1e: {  	[sflag:s23] =	ssyncadd.s32 s4;
	_ =	sdelay $0x1  }
0x1f: {  	s24 =	simm.s32 $0x1B8B  }
0x20: {  	_ =	swait.ge [sflag:s24], $0x1  }
0x21: {  	[sflag:s24] =	ssyncset.done $0x0  }
0x22: {  	s26 =	simm.s32 $0x1B8E;
	s25 =	sld [smem:$0x3FFE];
	[sflag:s24] =	ssyncadd.s32 $0xFFFFFFFF  }
0x23: {  	s27 =	simm.s32 $execute0_lowered;
	[smem:$0x3FD2] =	sst s26  }
0x24: {  	s5 =	sshll.u32 s27, $0x1;
	_ =	strace $0x80000046;
	[dreg:$0x1] =	wrdreg $0xFFFFFFFF  }
0x25: {  	s28 =	simm.s32 $_size_execute0_lowered;
	s3 =	sadd.s32 s3, s5;
	[dreg:$0x0] =	wrdreg $0x0  }
0x26: {  	s5 =	sshll.u32 s28, $0x1;
	[dreg:$0x2] =	wrdreg s3  }
0x27: {  	[dreg:$0x3] =	wrdreg s5  }
0x28: {  	[dreg:$0x4] =	wrdreg $0xC0  }
0x29: {  	_ =	task [dreg:s7], $0x5FFFF  }
0x2a: {  	[dreg:$0x1] =	wrdreg $0xFFFFFFFF  }
0x2b: {  	[dreg:$0x0] =	wrdreg $0x60  }
0x2c: {  	[dreg:$0x2] =	wrdreg s25  }
0x2d: {  	[dreg:$0x3] =	wrdreg s17  }
0x2e: {  	[dreg:$0x4] =	wrdreg $0xA  }
0x2f: {  	_ =	task.clear_ibuf [dreg:s7], $0x5FFFF;
	_ =	strace $0x90000046  }
0x30: {  	s29 =	simm.s32 $0xA;
	_ =	strace $0x80000048  }
0x31: {  	_ =	swait.ge [sflag:s29], $0x1  }
0x32: {  	[sflag:s29] =	ssyncadd.s32 $0xFFFFFFFF  }
0x33: {  	_ =	strace $0x90000048  }
0x34: {  	_ =	sfence  }
0x35: {  	s30 =	sld [smem:$0x0];
	_ =	sdelay $0x2  }
0x36: {  	s31 =	sshll.u32 s1, $0xD;
	s1 =	sshrl.u32 s1, $0x2  }
0x37: {  	s3 =	sand.u32 $0x4000, s31;
	s1 =	sadd.s32 s1, s30  }
0x38: {  	s0 =	sor.u32 s3, s0;
	s1 =	sshll.u32 s1, $0x11  }
0x39: {  	s0 =	sor.u32 s1, s0  }
0x3a: {  	s0 =	sadd.s32 $0x8F2B, s0  }
0x3b: {  	[sflag:s0] =	ssyncadd.remote.s32 $0x1  }
0x3c: {  	_ =	sfence.sel $0xFFFF  }
0x3d: {  	[dreg:$0x0] =	wrdreg $0xFFFFFFFF;
	(pc) =	sbr.abs _section_cstart, $3  }
0x3e: {  	[dreg:$0x1] =	wrdreg $0xFFFFFFFF  }
0x3f: {  	_ =	task.clear_ibuf [dreg:s7], $0x2FFFF;
	_ =	strace $0x9FFFFFFF  }
0x40: {  	(tm) =	ssettm $0x7FFFFFFF  }
0x41: {  	_ =	shalt  }
tec
execute0_lowered:
.L_overlay_start_1:
0x0: {  	(tag) =	ssettag $0x1  }
0x1: {  	s1 =	rddreg [dreg:$0x0];
	s0 =	srdreg.scid  }
0x2: {  	s2 =	rddreg [dreg:$0x1];
	s5 =	simm.s32 $0x1;
	s8 =	simm.s32 $0x2  }
0x3: {  	s14 =	simm.s32 $0x0;
	s9 =	simm.s32 $0x10000;
	s10 =	simm.s32 $0x0  }
0x4: {  	s15 =	simm.s32 $0x0;
	s12 =	stileid.u32;
	s3 =	sshll.u32 s0, $0x3  }
0x5: {  	s13 =	simm.s32 $0x0;
	s21 =	simm.s32 $0x0;
	s3 =	sand.u32 $0x8, s3  }
.Ltmp0:
0x6: {  	s0 =	rddreg [dreg:$0x2];
	s6 =	ssub.s32 $0x100, s3;
	(pc) =	sbr.rel .LBB1_1-.Ltmp0, $4  }
0x7: {  	_ =	strace $0x80000047;
	s4 =	sadd.s32 $0x2A00, s1;
	s7 =	sshrl.u32 s6, $0x3  }
0x8: {  	[sflag:s5] =	ssyncpa.u1 $0x0;
	s6 =	sshrl.u32 s6, $0x4;
	s7 =	sand.u32 $0x1, s7  }
0x9: {  	s1 =	stileid.u32;
	[sflag:s8] =	ssyncpa.u1 $0x0;
	s6 =	sadd.s32 s6, s7  }
0xa: {  	s8 =	simm.s32 $0x800;
	s11 =	smov.u32 s3;
	s7 =	sadd.s32 $0x1, s6  }
.LBB1_7:
0xb: {  	s16 =	sadd.s32 $0x10, s11  }
0xc: {  	s14 =	sadd.s32 $0x10, s12;
	s18 =	smov.u32 s12;
	p1 =	sgt.s32 s16, $0xFF  }
0xd: {  	s18 =	smov.u32 @p1 s14  }
0xe: {  	s16 =	smov.u32 @p1 s3;
	p1 =	sgt.s32 s18, $0xF  }
0xf: {  	s18 =	smov.u32 @p1 s1;
	p1 =	sne.s32 s13, s7  }
.Ltmp1:
0x10: {  	p0 =	slt.u32 s13, $0x2;
	(pc) =	sbr.rel @!p1 .LBB1_8-.Ltmp1, $4  }
0x11: {  	s17 =	simm.s32 @!p0 $0x2  }
0x12: {  	s15 =	smov.u32 s12;
	s10 =	sadd.s32 $0x4000, s10;
	_ =	swait.ge @!p0 [sflag:s17], $0x4000  }
0x13: {  	s14 =	smov.u32 s11;
	[sflag:s17] =	ssyncset.done @!p0 $0x0;
	s11 =	smov.u32 s16  }
0x14: {  	s13 =	sadd.s32 $0x1, s13;
	[sflag:s17] =	ssyncadd.s32 @!p0 $0xFFFFC000;
	s12 =	smov.u32 s18  }
.LBB1_1:
0x15: {  	p0 =	sge.u32 s13, s6  }
0x16: {  	s31 =	sadd.s32 $0xFFFFFFFF, s13;
	s16 =	sxor.u32 @!p0 $0xFFFFFFFF, s13;
	s17 =	sshll.u32 @!p0 s12, $0x10  }
0x17: {  	s18 =	sshll.u32 @!p0 s11, $0x8;
	s16 =	sshll.u32 @!p0 s16, $0xE;
	s17 =	sadd.s32 @!p0 s4, s17  }
0x18: {  	s16 =	sand.u32 @!p0 $0x4000, s16;
	s17 =	sadd.s32 @!p0 s18, s17;
	s18 =	simm.s32 @!p0 $0x0  }
0x19: {  	[tilespmem:s16], [sflag:$0x1] =	stream.linear.gather @!p0 [hbm4b:s17+s18], $0x4000, $0x38;
	[tilespmem:$0x10000] =	vst v63  }
0x1a: {  	p0 =	sge.u32 s31, s6  }
.Ltmp2:
0x1b: {  	_ = 	snop;
	(pc) =	sbr.rel @p0 .LBB1_7-.Ltmp2, $1  }
0x1c: {  	_ =	sdelay $0x3  }
0x1d: {  	s16 =	sshll.u32 s10, $0x2;
	_ =	swait.ge [sflag:s5], $0x4000;
	s31 =	sshll.u32 s13, $0xE  }
0x1e: {  	p0 =	por $0x0, $0x0;
	s22 =	simm.s32 $0x0;
	s23 =	simm.s32 $0x0  }
0x1f: {  	s16 =	sand.u32 $0x10000, s16;
	[sflag:s5] =	ssyncset.done $0x0;
	s19 =	sand.u32 $0x4000, s31  }
0x20: {  	s20 =	sshrl.u32 s16, $0x2;
	[sflag:s5] =	ssyncadd.s32 $0xFFFFC000;
	s16 =	sor.u32 $0x8000, s19  }
0x21: {  	s17 =	sor.u32 $0x40, s20;
	s18 =	sor.u32 $0x8410, s20;
	s20 =	sadd.s32 $0x8400, s20  }
.LBB1_3:
0x22: {  	v1 =	vld [tilespmem:s17+$0xFFFFFFD0]  }
0x23: {  	v2 =	vld [tilespmem:s17+$0x430]  }
0x24: {  	s24 =	sshll.u32 s23, $0xB;
	v4 =	vld [tilespmem:s17+$0xFFFFFFE0]  }
0x25: {  	v7 =	vld [tilespmem:s17+$0xFFFFFFF0];
	v0 =	vmov s24  }
0x26: {  	v8 =	vld [tilespmem:s17+$0x0]  }
0x27: {  	s30 =	sand.u32 $0x300, s21;
	v9 =	vld [tilespmem:s17+$0x10]  }
0x28: {  	s25 =	sand.u32 $0x80, s21;
	v10 =	vld [tilespmem:s17+$0x20];
	s24 =	sadd.s32 s30, s19  }
0x29: {  	v11 =	vld [tilespmem:s17+$0x30];
	s24 =	sadd.s32 s25, s24;
	s25 =	simm.s32 $0x1;
	[tilespmem:s18+$0x60] =	vst v2  }
0x2a: {  	s31 =	sshll.u32 s22, $0x2;
	s25 =	simm.s32 @!p0 $0x0;
	[tilespmem:s18+$0xFFFFFC00] =	vst v1;
	v3 =	vld.idx.msk [tilespmem:v0+s24+$0x400 ss:$0x1], $0xffff  }
0x2b: {  	v6 =	vld [tilespmem:s17+$0x3D0];
	s25 =	sshll.u32 s25, $0x9;
	[tilespmem:s18+$0xFFFFFC10] =	vst v4;
	s24 =	sand.u32 $0xFFFFFC00, s31  }
0x2c: {  	v5 =	vld [tilespmem:s17+$0x3E0];
	[tilespmem:s18+$0xFFFFFC20] =	vst v7;
	s24 =	sor.u32 s25, s24  }
0x2d: {  	[tilespmem:s18+$0xFFFFFC30] =	vst v8;
	v4 =	vld [tilespmem:s17+$0x400];
	s24 =	sshrl.u32 s24, $0x2  }
0x2e: {  	[tilespmem:s18+$0xFFFFFC40] =	vst v9;
	v1 =	vld [tilespmem:s17+$0x410];
	s24 =	sadd.s32 s24, s20  }
0x2f: {  	[tilespmem:s24+$0x0] =	vst v3;
	v3 =	vld [tilespmem:s17+$0x3F0]  }
0x30: {  	s28 =	simm.s32 $0x80;
	s27 =	simm.s32 $0x100;
	[tilespmem:s18+$0xFFFFFC50] =	vst v10;
	v2 =	vld [tilespmem:s17+$0x420]  }
0x31: {  	s26 =	smov.u32 s18;
	s29 =	sand.u32 $0x300, s28;
	v7 =	vld [tilespmem:s17+$0xFFFFFFC0];
	[tilespmem:s18+$0xFFFFFC60] =	vst v11;
	s25 =	sadd.s32 $0x80, s17  }
.LBB1_4:
0x32: {  	p1 =	sne.s32 s27, $0x380;
	v8 =	vld [tilespmem:s25+$0xFFFFFFD0];
	s28 =	sand.u32 $0x80, s28;
	s29 =	sadd.s32 s29, s19;
	[tilespmem:s26+$0x0] =	vst v6  }
0x33: {  	s29 =	sadd.s32 s28, s29;
	v6 =	vld [tilespmem:s25+$0x430];
	[tilespmem:s26+$0x10] =	vst v5;
	s28 =	smov.u32 s27  }
0x34: {  	v5 =	vld.idx.msk [tilespmem:v0+s29+$0x400 ss:$0x1], $0xffff;
	[tilespmem:s26+$0x20] =	vst v3  }
0x35: {  	v3 =	vld [tilespmem:s25+$0xFFFFFFE0];
	[tilespmem:s26+$0x30] =	vst v4  }
0x36: {  	v4 =	vld [tilespmem:s25+$0xFFFFFFF0];
	[tilespmem:s26+$0xFFFFFBF0] =	vst v7  }
0x37: {  	v7 =	vld [tilespmem:s25+$0x0];
	[tilespmem:s26+$0x40] =	vst v1  }
0x38: {  	v1 =	vld [tilespmem:s25+$0x10];
	[tilespmem:s26+$0x50] =	vst v2;
	s26 =	sadd.s32 $0x800, s26  }
0x39: {  	s24 =	sadd.s32 $0x800, s24;
	v2 =	vld [tilespmem:s25+$0x20];
	[tilespmem:s26+$0x60] =	vst v6  }
0x3a: {  	v9 =	vld [tilespmem:s25+$0x30];
	[tilespmem:s24+$0x0] =	vst v5  }
0x3b: {  	[tilespmem:s26+$0xFFFFFC00] =	vst v8;
	v6 =	vld [tilespmem:s25+$0x3D0]  }
0x3c: {  	[tilespmem:s26+$0xFFFFFC10] =	vst v3;
	v5 =	vld [tilespmem:s25+$0x3E0]  }
.Ltmp3:
0x3d: {  	[tilespmem:s26+$0xFFFFFC20] =	vst v4;
	v3 =	vld [tilespmem:s25+$0x3F0];
	(pc) =	sbr.rel @p1 .LBB1_4-.Ltmp3, $4  }
0x3e: {  	[tilespmem:s26+$0xFFFFFC30] =	vst v7;
	v4 =	vld [tilespmem:s25+$0x400]  }
0x3f: {  	[tilespmem:s26+$0xFFFFFC40] =	vst v1;
	v1 =	vld [tilespmem:s25+$0x410]  }
0x40: {  	[tilespmem:s26+$0xFFFFFC50] =	vst v2;
	v2 =	vld [tilespmem:s25+$0x420]  }
0x41: {  	s27 =	sadd.s32 $0x80, s27;
	s29 =	sand.u32 $0x300, s28;
	v7 =	vld [tilespmem:s25+$0xFFFFFFC0];
	[tilespmem:s26+$0xFFFFFC60] =	vst v9;
	s25 =	sadd.s32 $0x80, s25  }
0x42: {  	[tilespmem:s26+$0x0] =	vst v6  }
0x43: {  	[tilespmem:s26+$0x10] =	vst v5  }
0x44: {  	v49 =	vld [tilespmem:s25+$0x430];
	[tilespmem:s26+$0x20] =	vst v3  }
0x45: {  	v50 =	vld [tilespmem:s25+$0xFFFFFFD0];
	[tilespmem:s26+$0x30] =	vst v4  }
0x46: {  	v51 =	vld [tilespmem:s25+$0xFFFFFFE0];
	[tilespmem:s26+$0x40] =	vst v1  }
0x47: {  	v52 =	vld [tilespmem:s25+$0xFFFFFFF0];
	[tilespmem:s26+$0x50] =	vst v2  }
0x48: {  	s31 =	sadd.s32 $0x800, s26;
	v53 =	vld [tilespmem:s25+$0x0];
	[tilespmem:s26+$0xFFFFFBF0] =	vst v7  }
0x49: {  	v54 =	vld [tilespmem:s25+$0x10];
	[tilespmem:s31+$0x60] =	vst v49  }
0x4a: {  	v55 =	vld [tilespmem:s25+$0x20];
	[tilespmem:s31+$0xFFFFFC00] =	vst v50  }
0x4b: {  	v56 =	vld [tilespmem:s25+$0x30];
	[tilespmem:s31+$0xFFFFFC10] =	vst v51  }
0x4c: {  	v57 =	vld [tilespmem:s25+$0x3D0];
	[tilespmem:s31+$0xFFFFFC20] =	vst v52  }
0x4d: {  	v58 =	vld [tilespmem:s25+$0x3E0];
	[tilespmem:s31+$0xFFFFFC30] =	vst v53  }
0x4e: {  	v59 =	vld [tilespmem:s25+$0x3F0];
	[tilespmem:s31+$0xFFFFFC40] =	vst v54  }
0x4f: {  	v60 =	vld [tilespmem:s25+$0x400];
	[tilespmem:s31+$0xFFFFFC50] =	vst v55  }
0x50: {  	v61 =	vld [tilespmem:s25+$0xFFFFFFC0];
	[tilespmem:s31+$0xFFFFFC60] =	vst v56  }
0x51: {  	s27 =	sand.u32 $0x80, s28;
	s30 =	sadd.s32 s29, s19;
	v62 =	vld [tilespmem:s25+$0x410];
	[tilespmem:s31+$0x0] =	vst v57  }
0x52: {  	v63 =	vld [tilespmem:s25+$0x420];
	s23 =	sadd.s32 $0x1, s23;
	s27 =	sadd.s32 s27, s30;
	[tilespmem:s31+$0x10] =	vst v58  }
0x53: {  	p1 =	sne.s32 s23, $0x8;
	v0 =	vld.idx.msk [tilespmem:v0+s27+$0x400 ss:$0x1], $0xffff;
	[tilespmem:s31+$0x20] =	vst v59  }
.Ltmp4:
0x54: {  	[tilespmem:s31+$0x30] =	vst v60;
	(pc) =	sbr.rel @p1 .LBB1_3-.Ltmp4, $4  }
0x55: {  	[tilespmem:s31+$0xFFFFFBF0] =	vst v61  }
0x56: {  	[tilespmem:s31+$0x40] =	vst v62  }
0x57: {  	s24 =	sadd.s32 $0x800, s24;
	s17 =	sadd.s32 $0x800, s17;
	[tilespmem:s31+$0x50] =	vst v63  }
0x58: {  	s22 =	sadd.s32 $0x80, s22;
	p0 =	por !p0, !p0;
	s18 =	sadd.s32 $0x80, s18;
	[tilespmem:s24+$0x0] =	vst v0  }
0x59: {  	s17 =	sshll.u32 s14, $0x8;
	s31 =	sshll.u32 s14, $0x7  }
.Ltmp5:
0x5a: {  	s17 =	sand.u32 $0xF800, s17;
	s14 =	sand.u32 $0x380, s31;
	(pc) =	sbr.rel .LBB1_7-.Ltmp5, $4  }
0x5b: {  	s15 =	sshll.u32 s15, $0x10;
	s14 =	sor.u32 s14, s17  }
0x5c: {  	s15 =	sadd.s32 s2, s15;
	s14 =	sshrl.u32 s14, $0x3  }
0x5d: {  	s14 =	sadd.s32 s14, s15  }
0x5e: {  	[hbm4b:s14+s8] =	stream.strided.scatter [tilespmem:s16], [sflag:$0x2], $0x4000, s9, s8, $0x38;
	[tilespmem:$0x10000] =	vst v63  }
.LBB1_8:
0x5f: {  	_ =	sfence.sel $0x180000  }
0x60: {  	s2 =	simm.s32 $0x1;
	[bflag:$0x0] =	sbarrier.arrive $0xFFFF  }
0x61: {  	s31 =	simm.s32 $0x2;
	[sflag:s2] =	ssyncpa.u1 $0x1  }
0x62: {  	[sflag:s31] =	ssyncpa.u1 $0x1  }
0x63: {  	p0 =	sne.s32 s1, $0x0;
	_ =	strace $0x90000047  }
0x64: {  	s0 =	sadd.s32 @!p0 $0x100000, s0;
	[bflag:$0x2] =	sbarrier.arrive $0xFFFF  }
0x65: {  	[sflag:s0] =	ssyncadd.tile.s32 @!p0 $0x1;
	_ =	shalt  }
.Lfunc_end1:
_tile_overlayer_lowered:
.L_overlay_start_2:
0x66: {  	(tag) =	ssettag $0x2  }
0x67: {  	s0 =	rddreg [dreg:$0x0];
	s2 =	stileid.u32  }
0x68: {  	s1 =	rddreg [dreg:$0x1];
	p0 =	sne.s32 s2, $0x0  }
0x69: {  	s3 =	rddreg [dreg:$0x2];
	[bflag:$0x3] =	sbarrier.arrive $0xFFFF;
	s2 =	simm.s32 @!p0 $0x1C01  }
0x6a: {  	[timem:s3], [sflag:s2] =	dma.local @!p0 [hbm:s0], s1  }
0x6b: {  	s0 =	simm.s32 @!p0 $0x1  }
0x6c: {  	_ =	swait.ge @!p0 [sflag:s0], s1  }
0x6d: {  	s1 =	ssub.s32 @!p0 $0x0, s1;
	[sflag:s0] =	ssyncset.done @!p0 $0x0  }
0x6e: {  	[sflag:s0] =	ssyncadd.s32 @!p0 s1  }
0x6f: {  	[bflag:$0x3] =	sbarrier.arrive $0xFFFF  }
0x70: {  	_ =	shalt  }

// kernel: sparse-core-data-format-call.cloned.1.call-start
scs
called_computation_lowered:
.L_overlay_start_0:
0x0: {  	s2 =	sld [smem:$0x3FD9]  }
0x1: {  	s3 =	sld [smem:$0x3FFE];
	_ =	sdelay $0x1  }
0x2: {  	s1 =	srdreg.scid  }
0x3: {  	s0 =	sand.u32 $0x1, s1  }
0x4: {  	s16 =	sshll.u32 s0, $0xA;
	s2 =	sadd.s32 s3, s2  }
0x5: {  	s2 =	sadd.s32 s2, s16  }
0x6: {  	[smem:$0x3FBF] =	sst s2  }
0x7: {  	_ = 	snop  }
0x8: {  	s2 =	sld [smem:$0x3FD0];
	_ =	sdelay $0x2  }
0x9: {  	s17 =	simm.s32 $0xB;
	s4 =	simm.s32 $0x10  }
0xa: {  	[smem:s4], [sflag:s17] =	dma.local [hbm:s2], $0x1  }
0xb: {  	_ =	swait.eq [sflag:s17], $0x1  }
0xc: {  	[sflag:s17] =	ssyncset.done $0x0  }
0xd: {  	[sflag:s17] =	ssyncadd.s32 $0xFFFFFFFF  }
0xe: {  	s18 =	sld [smem:$0x14];
	(tm) =	ssettm $0x1  }
0xf: {  	s19 =	sld [smem:$0x3FFB];
	_ =	sdelay $0x3  }
0x10: {  	_ =	strace s19  }
0x11: {  	s2 =	sld [smem:$0x3FFC];
	_ =	sdelay $0x3  }
0x12: {  	_ =	strace s2  }
0x13: {  	s2 =	sld [smem:$0x3FFD];
	_ =	sdelay $0x3  }
0x14: {  	_ =	strace s2  }
0x15: {  	_ =	strace $0x8FFFFFFF  }
0x16: {  	s20 =	sld [smem:$0x3FDB];
	_ =	sdelay $0x1  }
0x17: {  	s21 =	simm.s32 $_scs_section_size  }
0x18: {  	s5 =	simm.s32 $_size__tile_overlayer_lowered;
	s6 =	simm.s32 $_tile_overlayer_lowered  }
0x19: {  	s7 =	simm.s32 $0x1BFF;
	s22 =	sshll.u32 s6, $0x1;
	s4 =	sadd.s32 s21, s20  }
0x1a: {  	s23 =	simm.s32 $0x0;
	s5 =	sshll.u32 s5, $0x1;
	s6 =	sadd.s32 s22, s4  }
0x1b: {  	[timem:s23], [sflag:s7] =	dma.local [hbm:s6], s5  }
0x1c: {  	_ =	swait.ge [sflag:s7], s5  }
0x1d: {  	s5 =	ssub.s32 $0x0, s5;
	[sflag:s7] =	ssyncset.done $0x0  }
0x1e: {  	[sflag:s7] =	ssyncadd.s32 s5;
	_ =	sdelay $0x1  }
0x1f: {  	s24 =	simm.s32 $0x1B8B  }
0x20: {  	_ =	swait.ge [sflag:s24], $0x1  }
0x21: {  	[sflag:s24] =	ssyncset.done $0x0  }
0x22: {  	[sflag:s24] =	ssyncadd.s32 $0xFFFFFFFF  }
0x23: {  	s5 =	sld [smem:$0x0]  }
0x24: {  	s6 =	sand.u32 $0xFFFFFFFE, s1  }
0x25: {  	p0 =	sne.s32 s1, s6  }
0x26: {  	s6 =	sshll.u32 @p0 s6, $0xE  }
0x27: {  	s6 =	sadd.s32 @p0 $0x11B8D, s6;
	s7 =	sshll.u32 @p0 s5, $0x11  }
0x28: {  	s6 =	sor.u32 @p0 s7, s6  }
0x29: {  	[sflag:s6] =	ssyncadd.remote.s32 @p0 $0x1;
	_ =	sdelay $0x1  }
0x2a: {  	s6 =	simm.s32 @p0 $0x1B8D  }
0x2b: {  	_ =	swait.eq @p0 [sflag:s6], $0x1  }
0x2c: {  	[sflag:s6] =	ssyncadd.s32 @p0 $0xFFFFFFFF  }
0x2d: {  	s7 =	sshll.u32 @!p0 s1, $0xE  }
0x2e: {  	s7 =	sor.u32 @!p0 $0x4000, s7;
	s6 =	simm.s32 @!p0 $0x1B8D  }
0x2f: {  	s5 =	sshll.u32 @!p0 s5, $0x11;
	s7 =	sadd.s32 @!p0 $0x11B8D, s7;
	_ =	swait.eq @!p0 [sflag:s6], $0x1  }
0x30: {  	s5 =	sor.u32 @!p0 s5, s7;
	[sflag:s6] =	ssyncadd.s32 @!p0 $0xFFFFFFFF  }
0x31: {  	s26 =	simm.s32 $0x1B8E;
	s25 =	sld [smem:$0x3FFE];
	[sflag:s5] =	ssyncadd.remote.s32 @!p0 $0x1  }
0x32: {  	s27 =	simm.s32 $execute0_lowered;
	[smem:$0x3FD2] =	sst s26  }
0x33: {  	s6 =	sshll.u32 s27, $0x1;
	_ =	strace $0x80000049;
	[dreg:$0x1] =	wrdreg $0xFFFFFFFF  }
0x34: {  	s28 =	simm.s32 $_size_execute0_lowered;
	s4 =	sadd.s32 s4, s6;
	[dreg:$0x0] =	wrdreg $0x0  }
0x35: {  	s6 =	sshll.u32 s28, $0x1;
	[dreg:$0x2] =	wrdreg s4  }
0x36: {  	[dreg:$0x3] =	wrdreg s6  }
0x37: {  	[dreg:$0x4] =	wrdreg $0xC0  }
0x38: {  	_ =	task [dreg:s23], $0x5FFFF  }
0x39: {  	[dreg:$0x1] =	wrdreg $0xFFFFFFFF  }
0x3a: {  	[dreg:$0x0] =	wrdreg $0x60  }
0x3b: {  	[dreg:$0x2] =	wrdreg s25  }
0x3c: {  	[dreg:$0x3] =	wrdreg s18  }
0x3d: {  	[dreg:$0x4] =	wrdreg $0x9  }
0x3e: {  	_ =	task.clear_ibuf [dreg:s23], $0x5FFFF;
	_ =	strace $0x90000049  }
0x3f: {  	s29 =	simm.s32 $0x9;
	_ =	strace $0x8000004B  }
0x40: {  	_ =	swait.ge [sflag:s29], $0x1  }
0x41: {  	[sflag:s29] =	ssyncadd.s32 $0xFFFFFFFF  }
0x42: {  	_ =	strace $0x9000004B  }
0x43: {  	_ =	sfence  }
0x44: {  	s30 =	sld [smem:$0x0];
	_ =	sdelay $0x2  }
0x45: {  	s31 =	sshll.u32 s1, $0xD;
	s1 =	sshrl.u32 s1, $0x2  }
0x46: {  	s4 =	sand.u32 $0x4000, s31;
	s1 =	sadd.s32 s1, s30  }
0x47: {  	s0 =	sor.u32 s4, s0;
	s1 =	sshll.u32 s1, $0x11  }
0x48: {  	s0 =	sor.u32 s1, s0  }
0x49: {  	s0 =	sadd.s32 $0x8F2B, s0  }
0x4a: {  	[sflag:s0] =	ssyncadd.remote.s32 $0x1  }
0x4b: {  	_ =	sfence.sel $0xFFFF  }
0x4c: {  	[dreg:$0x0] =	wrdreg $0xFFFFFFFF;
	(pc) =	sbr.abs _section_cstart, $3  }
0x4d: {  	[dreg:$0x1] =	wrdreg $0xFFFFFFFF  }
0x4e: {  	_ =	task.clear_ibuf [dreg:s23], $0x2FFFF;
	_ =	strace $0x9FFFFFFF  }
0x4f: {  	(tm) =	ssettm $0x7FFFFFFF  }
tec
execute0_lowered:
.L_overlay_start_1:
0x0: {  	(tag) =	ssettag $0x1  }
0x1: {  	s1 =	rddreg [dreg:$0x0];
	s0 =	srdreg.scid  }
0x2: {  	s2 =	rddreg [dreg:$0x1];
	s5 =	simm.s32 $0x1;
	s8 =	simm.s32 $0x2  }
0x3: {  	s14 =	simm.s32 $0x0;
	s9 =	simm.s32 $0x10000;
	s10 =	simm.s32 $0x0  }
0x4: {  	s15 =	simm.s32 $0x0;
	s12 =	stileid.u32;
	s3 =	sshll.u32 s0, $0x3  }
0x5: {  	s13 =	simm.s32 $0x0;
	s21 =	simm.s32 $0x0;
	s3 =	sand.u32 $0x8, s3  }
.Ltmp0:
0x6: {  	s0 =	rddreg [dreg:$0x2];
	s6 =	ssub.s32 $0x100, s3;
	(pc) =	sbr.rel .LBB1_1-.Ltmp0, $4  }
0x7: {  	_ =	strace $0x8000004A;
	s4 =	sadd.s32 $0x102A00, s1;
	s7 =	sshrl.u32 s6, $0x3  }
0x8: {  	[sflag:s5] =	ssyncpa.u1 $0x0;
	s6 =	sshrl.u32 s6, $0x4;
	s7 =	sand.u32 $0x1, s7  }
0x9: {  	s1 =	stileid.u32;
	[sflag:s8] =	ssyncpa.u1 $0x0;
	s6 =	sadd.s32 s6, s7  }
0xa: {  	s8 =	simm.s32 $0x800;
	s11 =	smov.u32 s3;
	s7 =	sadd.s32 $0x1, s6  }
.LBB1_7:
0xb: {  	s16 =	sadd.s32 $0x10, s11  }
0xc: {  	s14 =	sadd.s32 $0x10, s12;
	s18 =	smov.u32 s12;
	p1 =	sgt.s32 s16, $0xFF  }
0xd: {  	s18 =	smov.u32 @p1 s14  }
0xe: {  	s16 =	smov.u32 @p1 s3;
	p1 =	sgt.s32 s18, $0xF  }
0xf: {  	s18 =	smov.u32 @p1 s1;
	p1 =	sne.s32 s13, s7  }
.Ltmp1:
0x10: {  	p0 =	slt.u32 s13, $0x2;
	(pc) =	sbr.rel @!p1 .LBB1_8-.Ltmp1, $4  }
0x11: {  	s17 =	simm.s32 @!p0 $0x2  }
0x12: {  	s15 =	smov.u32 s12;
	s10 =	sadd.s32 $0x4000, s10;
	_ =	swait.ge @!p0 [sflag:s17], $0x4000  }
0x13: {  	s14 =	smov.u32 s11;
	[sflag:s17] =	ssyncset.done @!p0 $0x0;
	s11 =	smov.u32 s16  }
0x14: {  	s13 =	sadd.s32 $0x1, s13;
	[sflag:s17] =	ssyncadd.s32 @!p0 $0xFFFFC000;
	s12 =	smov.u32 s18  }
.LBB1_1:
0x15: {  	p0 =	sge.u32 s13, s6  }
0x16: {  	s31 =	sadd.s32 $0xFFFFFFFF, s13;
	s16 =	sxor.u32 @!p0 $0xFFFFFFFF, s13;
	s17 =	sshll.u32 @!p0 s12, $0x10  }
0x17: {  	s18 =	sshll.u32 @!p0 s11, $0x8;
	s16 =	sshll.u32 @!p0 s16, $0xE;
	s17 =	sadd.s32 @!p0 s4, s17  }
0x18: {  	s16 =	sand.u32 @!p0 $0x4000, s16;
	s17 =	sadd.s32 @!p0 s18, s17;
	s18 =	simm.s32 @!p0 $0x0  }
0x19: {  	[tilespmem:s16], [sflag:$0x1] =	stream.linear.gather @!p0 [hbm4b:s17+s18], $0x4000, $0x38;
	[tilespmem:$0x10000] =	vst v63  }
0x1a: {  	p0 =	sge.u32 s31, s6  }
.Ltmp2:
0x1b: {  	_ = 	snop;
	(pc) =	sbr.rel @p0 .LBB1_7-.Ltmp2, $1  }
0x1c: {  	_ =	sdelay $0x3  }
0x1d: {  	s16 =	sshll.u32 s10, $0x2;
	_ =	swait.ge [sflag:s5], $0x4000;
	s31 =	sshll.u32 s13, $0xE  }
0x1e: {  	p0 =	por $0x0, $0x0;
	s22 =	simm.s32 $0x0;
	s23 =	simm.s32 $0x0  }
0x1f: {  	s16 =	sand.u32 $0x10000, s16;
	[sflag:s5] =	ssyncset.done $0x0;
	s19 =	sand.u32 $0x4000, s31  }
0x20: {  	s20 =	sshrl.u32 s16, $0x2;
	[sflag:s5] =	ssyncadd.s32 $0xFFFFC000;
	s16 =	sor.u32 $0x8000, s19  }
0x21: {  	s17 =	sor.u32 $0x40, s20;
	s18 =	sor.u32 $0x8410, s20;
	s20 =	sadd.s32 $0x8400, s20  }
.LBB1_3:
0x22: {  	v1 =	vld [tilespmem:s17+$0xFFFFFFD0]  }
0x23: {  	v2 =	vld [tilespmem:s17+$0x430]  }
0x24: {  	s24 =	sshll.u32 s23, $0xB;
	v4 =	vld [tilespmem:s17+$0xFFFFFFE0]  }
0x25: {  	v7 =	vld [tilespmem:s17+$0xFFFFFFF0];
	v0 =	vmov s24  }
0x26: {  	v8 =	vld [tilespmem:s17+$0x0]  }
0x27: {  	s30 =	sand.u32 $0x300, s21;
	v9 =	vld [tilespmem:s17+$0x10]  }
0x28: {  	s25 =	sand.u32 $0x80, s21;
	v10 =	vld [tilespmem:s17+$0x20];
	s24 =	sadd.s32 s30, s19  }
0x29: {  	v11 =	vld [tilespmem:s17+$0x30];
	s24 =	sadd.s32 s25, s24;
	s25 =	simm.s32 $0x1;
	[tilespmem:s18+$0x60] =	vst v2  }
0x2a: {  	s31 =	sshll.u32 s22, $0x2;
	s25 =	simm.s32 @!p0 $0x0;
	[tilespmem:s18+$0xFFFFFC00] =	vst v1;
	v3 =	vld.idx.msk [tilespmem:v0+s24+$0x400 ss:$0x1], $0xffff  }
0x2b: {  	v6 =	vld [tilespmem:s17+$0x3D0];
	s25 =	sshll.u32 s25, $0x9;
	[tilespmem:s18+$0xFFFFFC10] =	vst v4;
	s24 =	sand.u32 $0xFFFFFC00, s31  }
0x2c: {  	v5 =	vld [tilespmem:s17+$0x3E0];
	[tilespmem:s18+$0xFFFFFC20] =	vst v7;
	s24 =	sor.u32 s25, s24  }
0x2d: {  	[tilespmem:s18+$0xFFFFFC30] =	vst v8;
	v4 =	vld [tilespmem:s17+$0x400];
	s24 =	sshrl.u32 s24, $0x2  }
0x2e: {  	[tilespmem:s18+$0xFFFFFC40] =	vst v9;
	v1 =	vld [tilespmem:s17+$0x410];
	s24 =	sadd.s32 s24, s20  }
0x2f: {  	[tilespmem:s24+$0x0] =	vst v3;
	v3 =	vld [tilespmem:s17+$0x3F0]  }
0x30: {  	s28 =	simm.s32 $0x80;
	s27 =	simm.s32 $0x100;
	[tilespmem:s18+$0xFFFFFC50] =	vst v10;
	v2 =	vld [tilespmem:s17+$0x420]  }
0x31: {  	s26 =	smov.u32 s18;
	s29 =	sand.u32 $0x300, s28;
	v7 =	vld [tilespmem:s17+$0xFFFFFFC0];
	[tilespmem:s18+$0xFFFFFC60] =	vst v11;
	s25 =	sadd.s32 $0x80, s17  }
.LBB1_4:
0x32: {  	p1 =	sne.s32 s27, $0x380;
	v8 =	vld [tilespmem:s25+$0xFFFFFFD0];
	s28 =	sand.u32 $0x80, s28;
	s29 =	sadd.s32 s29, s19;
	[tilespmem:s26+$0x0] =	vst v6  }
0x33: {  	s29 =	sadd.s32 s28, s29;
	v6 =	vld [tilespmem:s25+$0x430];
	[tilespmem:s26+$0x10] =	vst v5;
	s28 =	smov.u32 s27  }
0x34: {  	v5 =	vld.idx.msk [tilespmem:v0+s29+$0x400 ss:$0x1], $0xffff;
	[tilespmem:s26+$0x20] =	vst v3  }
0x35: {  	v3 =	vld [tilespmem:s25+$0xFFFFFFE0];
	[tilespmem:s26+$0x30] =	vst v4  }
0x36: {  	v4 =	vld [tilespmem:s25+$0xFFFFFFF0];
	[tilespmem:s26+$0xFFFFFBF0] =	vst v7  }
0x37: {  	v7 =	vld [tilespmem:s25+$0x0];
	[tilespmem:s26+$0x40] =	vst v1  }
0x38: {  	v1 =	vld [tilespmem:s25+$0x10];
	[tilespmem:s26+$0x50] =	vst v2;
	s26 =	sadd.s32 $0x800, s26  }
0x39: {  	s24 =	sadd.s32 $0x800, s24;
	v2 =	vld [tilespmem:s25+$0x20];
	[tilespmem:s26+$0x60] =	vst v6  }
0x3a: {  	v9 =	vld [tilespmem:s25+$0x30];
	[tilespmem:s24+$0x0] =	vst v5  }
0x3b: {  	[tilespmem:s26+$0xFFFFFC00] =	vst v8;
	v6 =	vld [tilespmem:s25+$0x3D0]  }
0x3c: {  	[tilespmem:s26+$0xFFFFFC10] =	vst v3;
	v5 =	vld [tilespmem:s25+$0x3E0]  }
.Ltmp3:
0x3d: {  	[tilespmem:s26+$0xFFFFFC20] =	vst v4;
	v3 =	vld [tilespmem:s25+$0x3F0];
	(pc) =	sbr.rel @p1 .LBB1_4-.Ltmp3, $4  }
0x3e: {  	[tilespmem:s26+$0xFFFFFC30] =	vst v7;
	v4 =	vld [tilespmem:s25+$0x400]  }
0x3f: {  	[tilespmem:s26+$0xFFFFFC40] =	vst v1;
	v1 =	vld [tilespmem:s25+$0x410]  }
0x40: {  	[tilespmem:s26+$0xFFFFFC50] =	vst v2;
	v2 =	vld [tilespmem:s25+$0x420]  }
0x41: {  	s27 =	sadd.s32 $0x80, s27;
	s29 =	sand.u32 $0x300, s28;
	v7 =	vld [tilespmem:s25+$0xFFFFFFC0];
	[tilespmem:s26+$0xFFFFFC60] =	vst v9;
	s25 =	sadd.s32 $0x80, s25  }
0x42: {  	[tilespmem:s26+$0x0] =	vst v6  }
0x43: {  	[tilespmem:s26+$0x10] =	vst v5  }
0x44: {  	v49 =	vld [tilespmem:s25+$0x430];
	[tilespmem:s26+$0x20] =	vst v3  }
0x45: {  	v50 =	vld [tilespmem:s25+$0xFFFFFFD0];
	[tilespmem:s26+$0x30] =	vst v4  }
0x46: {  	v51 =	vld [tilespmem:s25+$0xFFFFFFE0];
	[tilespmem:s26+$0x40] =	vst v1  }
0x47: {  	v52 =	vld [tilespmem:s25+$0xFFFFFFF0];
	[tilespmem:s26+$0x50] =	vst v2  }
0x48: {  	s31 =	sadd.s32 $0x800, s26;
	v53 =	vld [tilespmem:s25+$0x0];
	[tilespmem:s26+$0xFFFFFBF0] =	vst v7  }
0x49: {  	v54 =	vld [tilespmem:s25+$0x10];
	[tilespmem:s31+$0x60] =	vst v49  }
0x4a: {  	v55 =	vld [tilespmem:s25+$0x20];
	[tilespmem:s31+$0xFFFFFC00] =	vst v50  }
0x4b: {  	v56 =	vld [tilespmem:s25+$0x30];
	[tilespmem:s31+$0xFFFFFC10] =	vst v51  }
0x4c: {  	v57 =	vld [tilespmem:s25+$0x3D0];
	[tilespmem:s31+$0xFFFFFC20] =	vst v52  }
0x4d: {  	v58 =	vld [tilespmem:s25+$0x3E0];
	[tilespmem:s31+$0xFFFFFC30] =	vst v53  }
0x4e: {  	v59 =	vld [tilespmem:s25+$0x3F0];
	[tilespmem:s31+$0xFFFFFC40] =	vst v54  }
0x4f: {  	v60 =	vld [tilespmem:s25+$0x400];
	[tilespmem:s31+$0xFFFFFC50] =	vst v55  }
0x50: {  	v61 =	vld [tilespmem:s25+$0xFFFFFFC0];
	[tilespmem:s31+$0xFFFFFC60] =	vst v56  }
0x51: {  	s27 =	sand.u32 $0x80, s28;
	s30 =	sadd.s32 s29, s19;
	v62 =	vld [tilespmem:s25+$0x410];
	[tilespmem:s31+$0x0] =	vst v57  }
0x52: {  	v63 =	vld [tilespmem:s25+$0x420];
	s23 =	sadd.s32 $0x1, s23;
	s27 =	sadd.s32 s27, s30;
	[tilespmem:s31+$0x10] =	vst v58  }
0x53: {  	p1 =	sne.s32 s23, $0x8;
	v0 =	vld.idx.msk [tilespmem:v0+s27+$0x400 ss:$0x1], $0xffff;
	[tilespmem:s31+$0x20] =	vst v59  }
.Ltmp4:
0x54: {  	[tilespmem:s31+$0x30] =	vst v60;
	(pc) =	sbr.rel @p1 .LBB1_3-.Ltmp4, $4  }
0x55: {  	[tilespmem:s31+$0xFFFFFBF0] =	vst v61  }
0x56: {  	[tilespmem:s31+$0x40] =	vst v62  }
0x57: {  	s24 =	sadd.s32 $0x800, s24;
	s17 =	sadd.s32 $0x800, s17;
	[tilespmem:s31+$0x50] =	vst v63  }
0x58: {  	s22 =	sadd.s32 $0x80, s22;
	p0 =	por !p0, !p0;
	s18 =	sadd.s32 $0x80, s18;
	[tilespmem:s24+$0x0] =	vst v0  }
0x59: {  	s17 =	sshll.u32 s14, $0x8;
	s31 =	sshll.u32 s14, $0x7  }
.Ltmp5:
0x5a: {  	s17 =	sand.u32 $0xF800, s17;
	s14 =	sand.u32 $0x380, s31;
	(pc) =	sbr.rel .LBB1_7-.Ltmp5, $4  }
0x5b: {  	s15 =	sshll.u32 s15, $0x10;
	s14 =	sor.u32 s14, s17  }
0x5c: {  	s15 =	sadd.s32 s2, s15;
	s14 =	sshrl.u32 s14, $0x3  }
0x5d: {  	s14 =	sadd.s32 s14, s15  }
0x5e: {  	[hbm4b:s14+s8] =	stream.strided.scatter [tilespmem:s16], [sflag:$0x2], $0x4000, s9, s8, $0x38;
	[tilespmem:$0x10000] =	vst v63  }
.LBB1_8:
0x5f: {  	_ =	sfence.sel $0x180000  }
0x60: {  	s2 =	simm.s32 $0x1;
	[bflag:$0x0] =	sbarrier.arrive $0xFFFF  }
0x61: {  	s31 =	simm.s32 $0x2;
	[sflag:s2] =	ssyncpa.u1 $0x1  }
0x62: {  	[sflag:s31] =	ssyncpa.u1 $0x1  }
0x63: {  	p0 =	sne.s32 s1, $0x0;
	_ =	strace $0x9000004A  }
0x64: {  	s0 =	sadd.s32 @!p0 $0x100000, s0;
	[bflag:$0x2] =	sbarrier.arrive $0xFFFF  }
0x65: {  	[sflag:s0] =	ssyncadd.tile.s32 @!p0 $0x1;
	_ =	shalt  }
.Lfunc_end1:
_tile_overlayer_lowered:
.L_overlay_start_2:
0x66: {  	(tag) =	ssettag $0x2  }
0x67: {  	s0 =	rddreg [dreg:$0x0];
	s2 =	stileid.u32  }
0x68: {  	s1 =	rddreg [dreg:$0x1];
	p0 =	sne.s32 s2, $0x0  }
0x69: {  	s3 =	rddreg [dreg:$0x2];
	[bflag:$0x3] =	sbarrier.arrive $0xFFFF;
	s2 =	simm.s32 @!p0 $0x1C01  }
0x6a: {  	[timem:s3], [sflag:s2] =	dma.local @!p0 [hbm:s0], s1  }
0x6b: {  	s0 =	simm.s32 @!p0 $0x1  }
0x6c: {  	_ =	swait.ge @!p0 [sflag:s0], s1  }
0x6d: {  	s1 =	ssub.s32 @!p0 $0x0, s1;
	[sflag:s0] =	ssyncset.done @!p0 $0x0  }
0x6e: {  	[sflag:s0] =	ssyncadd.s32 @!p0 s1  }
0x6f: {  	[bflag:$0x3] =	sbarrier.arrive $0xFFFF  }
0x70: {  	_ =	shalt  }

</sc_bundles>
